<compile_context>
chip_gen: v7x
topology: tpu7x:2x2x1
jax: 0.10.2.dev20260603
libtpu: 0.0.44.dev20260713+nightly
codegen_flags: <defaults>
</compile_context>

<pallas_src>
import functools

import jax
import jax.numpy as jnp
from jax import lax
from jax.experimental import pallas as pl
from jax.experimental.pallas import tpu as pltpu
from jax.experimental.pallas import tpu_sc as plsc

_N = 10000
_E = 320000
_H = 128
_G = 64

_NC = 2
_NS = 16
_NP = 10240
_RPT = _NP // _NS
_K = 128
_CHUNKS = 80
_EPT = _K * _CHUNKS
_EPC = _EPT * _NS
_EP = _EPC * _NC
_DST_PAD = _N + 16

_mesh = plsc.VectorSubcoreMesh(core_axis_name="c", subcore_axis_name="s")


@functools.partial(
    pl.kernel,
    out_type=jax.ShapeDtypeStruct((_NC * _NP, 16), jnp.float32),
    mesh=_mesh,
    scratch_types=[
        pltpu.VMEM((_K,), jnp.int32),
        pltpu.VMEM((_K, 16), jnp.float32),
        pltpu.VMEM_SHARED((_NP, 16), jnp.float32),
    ],
)
def _sc_deg(dst_hbm, ones_hbm, zeros_hbm, out_hbm, didx, ones_v, acc):
    cid = lax.axis_index("c")
    sid = lax.axis_index("s")
    ebase = (cid * _NS + sid) * _EPT
    pltpu.sync_copy(ones_hbm, ones_v)
    pltpu.sync_copy(zeros_hbm, acc.at[pl.ds(sid * _RPT, _RPT)])
    plsc.subcore_barrier()

    def body(c, _):
        pltpu.sync_copy(dst_hbm.at[pl.ds(ebase + c * _K, _K)], didx)
        pltpu.sync_copy(ones_v, acc.at[didx], add=True)
        return 0

    lax.fori_loop(0, _CHUNKS, body, 0)
    plsc.subcore_barrier()
    pltpu.sync_copy(
        acc.at[pl.ds(sid * _RPT, _RPT)],
        out_hbm.at[pl.ds(cid * _NP + sid * _RPT, _RPT)],
    )


_PROP_SCRATCH = [
    pltpu.VMEM((_K,), jnp.int32),
    pltpu.VMEM((_K,), jnp.int32),
    pltpu.VMEM((_K, _H), jnp.float32),
    pltpu.SemaphoreType.DMA,
    pltpu.VMEM_SHARED((_NP, _H), jnp.float32),
]


def _sc_prop_body(src_hbm, dst_hbm, hs_hbm, zeros_hbm, out_hbm,
                  sidx, didx, rows, sem, acc):
    cid = lax.axis_index("c")
    sid = lax.axis_index("s")
    ebase = (cid * _NS + sid) * _EPT
    pltpu.sync_copy(zeros_hbm, acc.at[pl.ds(sid * _RPT, _RPT)])
    plsc.subcore_barrier()

    def body(c, _):
        pltpu.sync_copy(src_hbm.at[pl.ds(ebase + c * _K, _K)], sidx)
        pltpu.sync_copy(dst_hbm.at[pl.ds(ebase + c * _K, _K)], didx)
        pltpu.async_copy(hs_hbm.at[sidx], rows, sem).wait()
        pltpu.sync_copy(rows, acc.at[didx], add=True)
        return 0

    lax.fori_loop(0, _CHUNKS, body, 0)
    plsc.subcore_barrier()
    pltpu.sync_copy(
        acc.at[pl.ds(sid * _RPT, _RPT)],
        out_hbm.at[pl.ds(cid * _NP + sid * _RPT, _RPT)],
    )


_sc_prop = functools.partial(
    pl.kernel,
    out_type=jax.ShapeDtypeStruct((_NC * _NP, _H), jnp.float32),
    mesh=_mesh,
    scratch_types=_PROP_SCRATCH,
)(_sc_prop_body)


_BLK = 512
_GRID = _NP // _BLK


def _pre_body(xr, wr, da, db, dis_r, p_r, hs_r):
    deg = da[:, :1] + db[:, :1] + 1.0
    dis = lax.rsqrt(deg)
    p = jnp.dot(xr[...], wr[...], preferred_element_type=jnp.float32)
    dis_r[...] = dis
    p_r[...] = p
    hs_r[...] = p * dis


def _tc_pre(x_p, W1, degp):
    return pl.pallas_call(
        _pre_body,
        grid=(_GRID,),
        in_specs=[
            pl.BlockSpec((_BLK, _H), lambda i: (i, 0)),
            pl.BlockSpec((_H, _H), lambda i: (0, 0)),
            pl.BlockSpec((_BLK, 16), lambda i: (i, 0)),
            pl.BlockSpec((_BLK, 16), lambda i: (i + _GRID, 0)),
        ],
        out_specs=[
            pl.BlockSpec((_BLK, 1), lambda i: (i, 0)),
            pl.BlockSpec((_BLK, _H), lambda i: (i, 0)),
            pl.BlockSpec((_BLK, _H), lambda i: (i, 0)),
        ],
        out_shape=[
            jax.ShapeDtypeStruct((_NP, 1), jnp.float32),
            jax.ShapeDtypeStruct((_NP, _H), jnp.float32),
            jax.ShapeDtypeStruct((_NP, _H), jnp.float32),
        ],
    )(x_p, W1, degp, degp)


def _mid_body(sa, sb, pr, disr, br, wr, pn_r, hsn_r):
    dis = disr[...]
    h = (sa[...] + sb[...]) * dis + pr[...] * (dis * dis) + br[...]
    h = jnp.maximum(h, 0.0)
    pn = jnp.dot(h, wr[...], preferred_element_type=jnp.float32)
    pn_r[...] = pn
    hsn_r[...] = pn * dis


def _tc_mid(s_parts, p, dis, b, W_next):
    return pl.pallas_call(
        _mid_body,
        grid=(_GRID,),
        in_specs=[
            pl.BlockSpec((_BLK, _H), lambda i: (i, 0)),
            pl.BlockSpec((_BLK, _H), lambda i: (i + _GRID, 0)),
            pl.BlockSpec((_BLK, _H), lambda i: (i, 0)),
            pl.BlockSpec((_BLK, 1), lambda i: (i, 0)),
            pl.BlockSpec((1, _H), lambda i: (0, 0)),
            pl.BlockSpec((_H, _H), lambda i: (0, 0)),
        ],
        out_specs=[
            pl.BlockSpec((_BLK, _H), lambda i: (i, 0)),
            pl.BlockSpec((_BLK, _H), lambda i: (i, 0)),
        ],
        out_shape=[
            jax.ShapeDtypeStruct((_NP, _H), jnp.float32),
            jax.ShapeDtypeStruct((_NP, _H), jnp.float32),
        ],
    )(s_parts, s_parts, p, dis, b, W_next)


def _final_body(sa, sb, pr, disr, br, batchr, lwr, lbr, out_r, sums, counts):
    i = pl.program_id(0)

    @pl.when(i == 0)
    def _():
        sums[...] = jnp.zeros_like(sums)
        counts[...] = jnp.zeros_like(counts)

    dis = disr[...]
    h = (sa[...] + sb[...]) * dis + pr[...] * (dis * dis) + br[...]
    gids = lax.broadcasted_iota(jnp.int32, (_BLK, _G), 1)
    m = (batchr[...] == gids).astype(jnp.float32)
    sums[...] += lax.dot_general(
        m, h, (((0,), (0,)), ((), ())), preferred_element_type=jnp.float32
    )
    counts[...] += lax.dot_general(
        m,
        jnp.ones((_BLK, 1), jnp.float32),
        (((0,), (0,)), ((), ())),
        preferred_element_type=jnp.float32,
    )

    @pl.when(i == _GRID - 1)
    def _():
        pooled = sums[...] / jnp.maximum(counts[...], 1.0)
        out_r[...] = (
            jnp.dot(pooled, lwr[...], preferred_element_type=jnp.float32) + lbr[...]
        )


def _tc_final(s_parts, p, dis, b, batch2d, lin_W, lin_b2):
    return pl.pallas_call(
        _final_body,
        grid=(_GRID,),
        in_specs=[
            pl.BlockSpec((_BLK, _H), lambda i: (i, 0)),
            pl.BlockSpec((_BLK, _H), lambda i: (i + _GRID, 0)),
            pl.BlockSpec((_BLK, _H), lambda i: (i, 0)),
            pl.BlockSpec((_BLK, 1), lambda i: (i, 0)),
            pl.BlockSpec((1, _H), lambda i: (0, 0)),
            pl.BlockSpec((_BLK, 1), lambda i: (i, 0)),
            pl.BlockSpec((_H, 1), lambda i: (0, 0)),
            pl.BlockSpec((1, 1), lambda i: (0, 0)),
        ],
        out_specs=pl.BlockSpec((_G, 1), lambda i: (0, 0)),
        out_shape=jax.ShapeDtypeStruct((_G, 1), jnp.float32),
        scratch_shapes=[
            pltpu.VMEM((_G, _H), jnp.float32),
            pltpu.VMEM((_G, 1), jnp.float32),
        ],
    )(s_parts, s_parts, p, dis, b, batch2d, lin_W, lin_b2)


def kernel(x, edge_index, batch, W1, b1, W2, b2, W3, b3, lin_W, lin_b):
    src = edge_index[0]
    dst = edge_index[1]
    src_p = jnp.concatenate([src, jnp.zeros((_EP - _E,), jnp.int32)])
    dst_p = jnp.concatenate(
        [dst, jnp.full((_EP - _E,), _DST_PAD, jnp.int32)]
    )
    x_p = jnp.pad(x, ((0, _NP - _N), (0, 0)))
    batch2d = jnp.pad(batch, (0, _NP - _N), constant_values=_G).reshape(_NP, 1)

    zeros_h = jnp.zeros((_RPT, _H), jnp.float32)
    zeros_16 = jnp.zeros((_RPT, 16), jnp.float32)
    ones_16 = jnp.ones((_K, 16), jnp.float32)

    degp = _sc_deg(dst_p, ones_16, zeros_16)
    dis, p1, hs1 = _tc_pre(x_p, W1, degp)
    s1 = _sc_prop(src_p, dst_p, hs1, zeros_h)
    p2, hs2 = _tc_mid(s1, p1, dis, b1.reshape(1, _H), W2)
    s2 = _sc_prop(src_p, dst_p, hs2, zeros_h)
    p3, hs3 = _tc_mid(s2, p2, dis, b2.reshape(1, _H), W3)
    s3 = _sc_prop(src_p, dst_p, hs3, zeros_h)
    return _tc_final(
        s3, p3, dis, b3.reshape(1, _H), batch2d, lin_W, lin_b.reshape(1, 1)
    )

# --- scband reference (transcript-rebuilt; emitter-appended) ---
"""Pipeline reference for scband-gcn-76501957476420 (READ-ONLY COPY).

The authoritative reference and input builder live on the scoring server;
editing this copy changes nothing except your own understanding.
"""

import jax, jax.numpy as jnp
import numpy as np

N = 10000
E = 320000
D = 128
H = 128
G = 64
T = 1


def setup_inputs(seed: int = 0) -> dict:
    key = jax.random.key(seed)
    ks = jax.random.split(key, 12)
    x = jax.random.normal(ks[0], (N, D), dtype=jnp.float32)
    edge_index = jax.random.randint(ks[1], (2, E), 0, N, dtype=jnp.int32)
    batch = jnp.sort(jax.random.randint(ks[2], (N,), 0, G, dtype=jnp.int32))
    W1 = jax.random.normal(ks[3], (D, H), dtype=jnp.float32) * 0.05
    b1 = jnp.zeros((H,), dtype=jnp.float32)
    W2 = jax.random.normal(ks[4], (H, H), dtype=jnp.float32) * 0.05
    b2 = jnp.zeros((H,), dtype=jnp.float32)
    W3 = jax.random.normal(ks[5], (H, H), dtype=jnp.float32) * 0.05
    b3 = jnp.zeros((H,), dtype=jnp.float32)
    lin_W = jax.random.normal(ks[6], (H, T), dtype=jnp.float32) * 0.05
    lin_b = jnp.zeros((T,), dtype=jnp.float32)
    return {"x": x, "edge_index": edge_index, "batch": batch,
            "W1": W1, "b1": b1, "W2": W2, "b2": b2, "W3": W3, "b3": b3,
            "lin_W": lin_W, "lin_b": lin_b}


def _gcn_conv(x, src_full, dst_full, norm, W, b, n_nodes):
    # GCNConv: D^{-1/2} (A + I) D^{-1/2} X W + b
    h = x @ W
    msg = h[src_full] * norm[:, None]
    out = jax.ops.segment_sum(msg, dst_full, num_segments=n_nodes)
    return out + b


def reference(x, edge_index, batch, W1, b1, W2, b2, W3, b3, lin_W, lin_b):
    src = edge_index[0]
    dst = edge_index[1]
    loop = jnp.arange(N, dtype=src.dtype)
    src_full = jnp.concatenate([src, loop])
    dst_full = jnp.concatenate([dst, loop])
    # symmetric normalization with self loops (deg counted on dst like PyG)
    deg = jax.ops.segment_sum(jnp.ones_like(dst_full, dtype=jnp.float32), dst_full, num_segments=N)
    dis = jnp.where(deg > 0, 1.0 / jnp.sqrt(deg), 0.0)
    norm = dis[src_full] * dis[dst_full]

    h = jax.nn.relu(_gcn_conv(x, src_full, dst_full, norm, W1, b1, N))
    h = jax.nn.relu(_gcn_conv(h, src_full, dst_full, norm, W2, b2, N))
    h = _gcn_conv(h, src_full, dst_full, norm, W3, b3, N)

    # global_mean_pool over batch ids
    counts = jax.ops.segment_sum(jnp.ones((N,), dtype=jnp.float32), batch, num_segments=G)
    summed = jax.ops.segment_sum(h, batch, num_segments=G)
    pooled = summed / jnp.maximum(counts, 1.0)[:, None]

    # dropout is identity in eval mode (training=False)
    out = pooled @ lin_W + lin_b
    return out

if __name__ == "__main__":
    import jax
    _d = setup_inputs()
    print(jax.jit(kernel)(*tuple(_d.values())))

</pallas_src>

<mosaic_0001>
#map = affine_map<(d0, d1) -> (0)>
#map1 = affine_map<(d0, d1) -> (0, 0)>
module attributes {stable_mosaic.version = 14 : i64} {
  func.func @_sc_prop_body(%arg0: i32, %arg1: i32, %arg2: memref<327680xi32, #tpu.memory_space<hbm>>, %arg3: memref<327680xi32, #tpu.memory_space<hbm>>, %arg4: memref<10240x128xf32, #tpu.memory_space<hbm>>, %arg5: memref<640x128xf32, #tpu.memory_space<hbm>>, %arg6: memref<20480x128xf32, #tpu.memory_space<hbm>>, %arg7: memref<128xi32, #tpu.memory_space<vmem>>, %arg8: memref<128xi32, #tpu.memory_space<vmem>>, %arg9: memref<128x128xf32, #tpu.memory_space<vmem>>, %arg10: memref<!tpu.dma_semaphore, #tpu.memory_space<semaphore_mem>>, %arg11: memref<10240x128xf32, #tpu.memory_space<vmem_shared>>) attributes {dimension_semantics = [#tpu.dimension_semantics<core_parallel>, #tpu.dimension_semantics<subcore_parallel>], iteration_bounds = array<i64: 2, 16>, scalar_prefetch = 0 : i64, scratch_operands = 5 : i64, tpu.core_type = #tpu.core_type<sc_vector_subcore>, window_params = [{transform_indices = #map}, {transform_indices = #map}, {transform_indices = #map1}, {transform_indices = #map1}, {transform_indices = #map1}]} {
    %mul3A = arith.constant 16 : i32
    %mul3A_0 = arith.muli %arg0, %mul3A : i32
    %add3A = arith.addi %mul3A_0, %arg1 : i32
    %mul3A_1 = arith.constant 10240 : i32
    %mul3A_2 = arith.muli %add3A, %mul3A_1 : i32
    %mul3A_3 = arith.constant 640 : i32
    %mul3A_4 = arith.muli %arg1, %mul3A_3 : i32
    "tpu.region"() ({
      %run_scoped3A = tpu.sem_alloc : memref<!tpu.dma_semaphore, #tpu.memory_space<semaphore_mem>>
      %dma_start3A = arith.constant 0 : i32
      %dma_start3A_19 = tpu.memref_slice %arg11[%mul3A_4, %dma_start3A] : memref<10240x128xf32, #tpu.memory_space<vmem_shared>> -> memref<640x128xf32, #tpu.memory_space<vmem_shared>>
      tpu.enqueue_dma source(%arg5 : memref<640x128xf32, #tpu.memory_space<hbm>>) target(%dma_start3A_19 : memref<640x128xf32, #tpu.memory_space<vmem_shared>>) target_semaphore(%run_scoped3A : memref<!tpu.dma_semaphore, #tpu.memory_space<semaphore_mem>>)
      %dma_wait3A = arith.constant 0 : i32
      %dma_wait3A_20 = tpu.memref_slice %arg11[%mul3A_4, %dma_wait3A] : memref<10240x128xf32, #tpu.memory_space<vmem_shared>> -> memref<640x128xf32, #tpu.memory_space<vmem_shared>>
      tpu.wait_dma2 semaphore(%run_scoped3A : memref<!tpu.dma_semaphore, #tpu.memory_space<semaphore_mem>>) src(%arg5 : memref<640x128xf32, #tpu.memory_space<hbm>>) dst(%dma_wait3A_20 : memref<640x128xf32, #tpu.memory_space<vmem_shared>>)
      tpu.yield
    }) : () -> ()
    %barrier3A = arith.constant 0 : index
    tpu.barrier barrier_id(%barrier3A)
    %scan3A = arith.constant 0 : i32
    %scan3A_5 = arith.constant 0 : i32
    %scan3A_6 = arith.constant 80 : i32
    %scan3A_7 = arith.addi %scan3A_5, %scan3A_6 : i32
    %scan3A_8 = arith.constant 1 : i32
    %scan3A_9 = scf.for %scan3A_19 = %scan3A_5 to %scan3A_7 step %scan3A_8 iter_args(%scan3A_20 = %scan3A) -> (i32)  : i32 {
      %mul3A_21 = arith.constant 128 : i32
      %mul3A_22 = arith.muli %scan3A_19, %mul3A_21 : i32
      %add3A_23 = arith.addi %mul3A_2, %mul3A_22 : i32
      "tpu.region"() ({
        %run_scoped3A = tpu.sem_alloc : memref<!tpu.dma_semaphore, #tpu.memory_space<semaphore_mem>>
        %dma_start3A_32 = tpu.memref_slice %arg2[%add3A_23] : memref<327680xi32, #tpu.memory_space<hbm>> -> memref<128xi32, #tpu.memory_space<hbm>>
        %dma_start3A_33 = tpu.memref_slice %arg2[%add3A_23] : memref<327680xi32, #tpu.memory_space<hbm>> -> memref<128xi32, #tpu.memory_space<hbm>>
        tpu.enqueue_dma source(%dma_start3A_33 : memref<128xi32, #tpu.memory_space<hbm>>) target(%arg7 : memref<128xi32, #tpu.memory_space<vmem>>) target_semaphore(%run_scoped3A : memref<!tpu.dma_semaphore, #tpu.memory_space<semaphore_mem>>)
        %dma_wait3A_34 = tpu.memref_slice %arg2[%add3A_23] : memref<327680xi32, #tpu.memory_space<hbm>> -> memref<128xi32, #tpu.memory_space<hbm>>
        %dma_wait3A_35 = tpu.memref_slice %arg2[%add3A_23] : memref<327680xi32, #tpu.memory_space<hbm>> -> memref<128xi32, #tpu.memory_space<hbm>>
        tpu.wait_dma2 semaphore(%run_scoped3A : memref<!tpu.dma_semaphore, #tpu.memory_space<semaphore_mem>>) src(%dma_wait3A_35 : memref<128xi32, #tpu.memory_space<hbm>>) dst(%arg7 : memref<128xi32, #tpu.memory_space<vmem>>)
        tpu.yield
      }) : () -> ()
      %mul3A_24 = arith.constant 128 : i32
      %mul3A_25 = arith.muli %scan3A_19, %mul3A_24 : i32
      %add3A_26 = arith.addi %mul3A_2, %mul3A_25 : i32
      "tpu.region"() ({
        %run_scoped3A = tpu.sem_alloc : memref<!tpu.dma_semaphore, #tpu.memory_space<semaphore_mem>>
        %dma_start3A_32 = tpu.memref_slice %arg3[%add3A_26] : memref<327680xi32, #tpu.memory_space<hbm>> -> memref<128xi32, #tpu.memory_space<hbm>>
        %dma_start3A_33 = tpu.memref_slice %arg3[%add3A_26] : memref<327680xi32, #tpu.memory_space<hbm>> -> memref<128xi32, #tpu.memory_space<hbm>>
        tpu.enqueue_dma source(%dma_start3A_33 : memref<128xi32, #tpu.memory_space<hbm>>) target(%arg8 : memref<128xi32, #tpu.memory_space<vmem>>) target_semaphore(%run_scoped3A : memref<!tpu.dma_semaphore, #tpu.memory_space<semaphore_mem>>)
        %dma_wait3A_34 = tpu.memref_slice %arg3[%add3A_26] : memref<327680xi32, #tpu.memory_space<hbm>> -> memref<128xi32, #tpu.memory_space<hbm>>
        %dma_wait3A_35 = tpu.memref_slice %arg3[%add3A_26] : memref<327680xi32, #tpu.memory_space<hbm>> -> memref<128xi32, #tpu.memory_space<hbm>>
        tpu.wait_dma2 semaphore(%run_scoped3A : memref<!tpu.dma_semaphore, #tpu.memory_space<semaphore_mem>>) src(%dma_wait3A_35 : memref<128xi32, #tpu.memory_space<hbm>>) dst(%arg8 : memref<128xi32, #tpu.memory_space<vmem>>)
        tpu.yield
      }) : () -> ()
      %dma_start3A = arith.constant 0 : i32
      %dma_start3A_27 = arith.constant 0 : i32
      %dma_start3A_28 = tpu.memref_slice %arg4[%dma_start3A, %dma_start3A_27] : memref<10240x128xf32, #tpu.memory_space<hbm>> -> memref<10240x128xf32, #tpu.memory_space<hbm>>
      tpu.enqueue_indirect_dma source(%dma_start3A_28 : memref<10240x128xf32, #tpu.memory_space<hbm>>) target(%arg9 : memref<128x128xf32, #tpu.memory_space<vmem>>) offsets(%arg7 : memref<128xi32, #tpu.memory_space<vmem>>) semaphore(%arg10 : memref<!tpu.dma_semaphore, #tpu.memory_space<semaphore_mem>>)
      %dma_wait3A = arith.constant 0 : i32
      %dma_wait3A_29 = arith.constant 0 : i32
      %dma_wait3A_30 = tpu.memref_slice %arg4[%dma_wait3A, %dma_wait3A_29] : memref<10240x128xf32, #tpu.memory_space<hbm>> -> memref<10240x128xf32, #tpu.memory_space<hbm>>
      tpu.wait_indirect_dma semaphore(%arg10 : memref<!tpu.dma_semaphore, #tpu.memory_space<semaphore_mem>>) src(%dma_wait3A_30 : memref<10240x128xf32, #tpu.memory_space<hbm>>) dst(%arg9 : memref<128x128xf32, #tpu.memory_space<vmem>>)
      "tpu.region"() ({
        %run_scoped3A = tpu.sem_alloc : memref<!tpu.dma_semaphore, #tpu.memory_space<semaphore_mem>>
        %dma_start3A_32 = arith.constant 0 : i32
        %dma_start3A_33 = arith.constant 0 : i32
        %dma_start3A_34 = tpu.memref_slice %arg11[%dma_start3A_32, %dma_start3A_33] : memref<10240x128xf32, #tpu.memory_space<vmem_shared>> -> memref<10240x128xf32, #tpu.memory_space<vmem_shared>>
        tpu.enqueue_indirect_dma source(%arg9 : memref<128x128xf32, #tpu.memory_space<vmem>>) target(%dma_start3A_34 : memref<10240x128xf32, #tpu.memory_space<vmem_shared>>) offsets(%arg8 : memref<128xi32, #tpu.memory_space<vmem>>) semaphore(%run_scoped3A : memref<!tpu.dma_semaphore, #tpu.memory_space<semaphore_mem>>) {add = true}
        %dma_wait3A_35 = arith.constant 0 : i32
        %dma_wait3A_36 = arith.constant 0 : i32
        %dma_wait3A_37 = tpu.memref_slice %arg11[%dma_wait3A_35, %dma_wait3A_36] : memref<10240x128xf32, #tpu.memory_space<vmem_shared>> -> memref<10240x128xf32, #tpu.memory_space<vmem_shared>>
        tpu.wait_indirect_dma semaphore(%run_scoped3A : memref<!tpu.dma_semaphore, #tpu.memory_space<semaphore_mem>>) src(%arg9 : memref<128x128xf32, #tpu.memory_space<vmem>>) dst(%dma_wait3A_37 : memref<10240x128xf32, #tpu.memory_space<vmem_shared>>)
        tpu.yield
      }) : () -> ()
      %scan3A_31 = arith.constant 0 : i32
      scf.yield %scan3A_31 : i32
    }
    %scan3A_10 = arith.constant 80 : i32
    %barrier3A_11 = arith.constant 0 : index
    tpu.barrier barrier_id(%barrier3A_11)
    %mul3A_12 = arith.constant 640 : i32
    %mul3A_13 = arith.muli %arg1, %mul3A_12 : i32
    %mul3A_14 = arith.constant 10240 : i32
    %mul3A_15 = arith.muli %arg0, %mul3A_14 : i32
    %mul3A_16 = arith.constant 640 : i32
    %mul3A_17 = arith.muli %arg1, %mul3A_16 : i32
    %add3A_18 = arith.addi %mul3A_15, %mul3A_17 : i32
    "tpu.region"() ({
      %run_scoped3A = tpu.sem_alloc : memref<!tpu.dma_semaphore, #tpu.memory_space<semaphore_mem>>
      %dma_start3A = arith.constant 0 : i32
      %dma_start3A_19 = tpu.memref_slice %arg6[%add3A_18, %dma_start3A] : memref<20480x128xf32, #tpu.memory_space<hbm>> -> memref<640x128xf32, #tpu.memory_space<hbm>>
      %dma_start3A_20 = arith.constant 0 : i32
      %dma_start3A_21 = tpu.memref_slice %arg11[%mul3A_13, %dma_start3A_20] : memref<10240x128xf32, #tpu.memory_space<vmem_shared>> -> memref<640x128xf32, #tpu.memory_space<vmem_shared>>
      tpu.enqueue_dma source(%dma_start3A_21 : memref<640x128xf32, #tpu.memory_space<vmem_shared>>) target(%dma_start3A_19 : memref<640x128xf32, #tpu.memory_space<hbm>>) target_semaphore(%run_scoped3A : memref<!tpu.dma_semaphore, #tpu.memory_space<semaphore_mem>>)
      %dma_wait3A = arith.constant 0 : i32
      %dma_wait3A_22 = tpu.memref_slice %arg6[%add3A_18, %dma_wait3A] : memref<20480x128xf32, #tpu.memory_space<hbm>> -> memref<640x128xf32, #tpu.memory_space<hbm>>
      %dma_wait3A_23 = arith.constant 0 : i32
      %dma_wait3A_24 = tpu.memref_slice %arg11[%mul3A_13, %dma_wait3A_23] : memref<10240x128xf32, #tpu.memory_space<vmem_shared>> -> memref<640x128xf32, #tpu.memory_space<vmem_shared>>
      tpu.wait_dma2 semaphore(%run_scoped3A : memref<!tpu.dma_semaphore, #tpu.memory_space<semaphore_mem>>) src(%dma_wait3A_24 : memref<640x128xf32, #tpu.memory_space<vmem_shared>>) dst(%dma_wait3A_22 : memref<640x128xf32, #tpu.memory_space<hbm>>)
      tpu.yield
    }) : () -> ()
    return
  }
}

#map = affine_map<(d0, d1) -> (0)>
#map1 = affine_map<(d0, d1) -> (0, 0)>
module attributes {stable_mosaic.version = 14 : i64} {
  func.func @_sc_deg(%arg0: i32, %arg1: i32, %arg2: memref<327680xi32, #tpu.memory_space<hbm>>, %arg3: memref<128x16xf32, #tpu.memory_space<hbm>>, %arg4: memref<640x16xf32, #tpu.memory_space<hbm>>, %arg5: memref<20480x16xf32, #tpu.memory_space<hbm>>, %arg6: memref<128xi32, #tpu.memory_space<vmem>>, %arg7: memref<128x16xf32, #tpu.memory_space<vmem>>, %arg8: memref<10240x16xf32, #tpu.memory_space<vmem_shared>>) attributes {dimension_semantics = [#tpu.dimension_semantics<core_parallel>, #tpu.dimension_semantics<subcore_parallel>], iteration_bounds = array<i64: 2, 16>, scalar_prefetch = 0 : i64, scratch_operands = 3 : i64, tpu.core_type = #tpu.core_type<sc_vector_subcore>, window_params = [{transform_indices = #map}, {transform_indices = #map1}, {transform_indices = #map1}, {transform_indices = #map1}]} {
    %mul3A = arith.constant 16 : i32
    %mul3A_0 = arith.muli %arg0, %mul3A : i32
    %add3A = arith.addi %mul3A_0, %arg1 : i32
    %mul3A_1 = arith.constant 10240 : i32
    %mul3A_2 = arith.muli %add3A, %mul3A_1 : i32
    "tpu.region"() ({
      %run_scoped3A = tpu.sem_alloc : memref<!tpu.dma_semaphore, #tpu.memory_space<semaphore_mem>>
      tpu.enqueue_dma source(%arg3 : memref<128x16xf32, #tpu.memory_space<hbm>>) target(%arg7 : memref<128x16xf32, #tpu.memory_space<vmem>>) target_semaphore(%run_scoped3A : memref<!tpu.dma_semaphore, #tpu.memory_space<semaphore_mem>>)
      tpu.wait_dma2 semaphore(%run_scoped3A : memref<!tpu.dma_semaphore, #tpu.memory_space<semaphore_mem>>) src(%arg3 : memref<128x16xf32, #tpu.memory_space<hbm>>) dst(%arg7 : memref<128x16xf32, #tpu.memory_space<vmem>>)
      tpu.yield
    }) : () -> ()
    %mul3A_3 = arith.constant 640 : i32
    %mul3A_4 = arith.muli %arg1, %mul3A_3 : i32
    "tpu.region"() ({
      %run_scoped3A = tpu.sem_alloc : memref<!tpu.dma_semaphore, #tpu.memory_space<semaphore_mem>>
      %dma_start3A = arith.constant 0 : i32
      %dma_start3A_19 = tpu.memref_slice %arg8[%mul3A_4, %dma_start3A] : memref<10240x16xf32, #tpu.memory_space<vmem_shared>> -> memref<640x16xf32, #tpu.memory_space<vmem_shared>>
      tpu.enqueue_dma source(%arg4 : memref<640x16xf32, #tpu.memory_space<hbm>>) target(%dma_start3A_19 : memref<640x16xf32, #tpu.memory_space<vmem_shared>>) target_semaphore(%run_scoped3A : memref<!tpu.dma_semaphore, #tpu.memory_space<semaphore_mem>>)
      %dma_wait3A = arith.constant 0 : i32
      %dma_wait3A_20 = tpu.memref_slice %arg8[%mul3A_4, %dma_wait3A] : memref<10240x16xf32, #tpu.memory_space<vmem_shared>> -> memref<640x16xf32, #tpu.memory_space<vmem_shared>>
      tpu.wait_dma2 semaphore(%run_scoped3A : memref<!tpu.dma_semaphore, #tpu.memory_space<semaphore_mem>>) src(%arg4 : memref<640x16xf32, #tpu.memory_space<hbm>>) dst(%dma_wait3A_20 : memref<640x16xf32, #tpu.memory_space<vmem_shared>>)
      tpu.yield
    }) : () -> ()
    %barrier3A = arith.constant 0 : index
    tpu.barrier barrier_id(%barrier3A)
    %scan3A = arith.constant 0 : i32
    %scan3A_5 = arith.constant 0 : i32
    %scan3A_6 = arith.constant 80 : i32
    %scan3A_7 = arith.addi %scan3A_5, %scan3A_6 : i32
    %scan3A_8 = arith.constant 1 : i32
    %scan3A_9 = scf.for %scan3A_19 = %scan3A_5 to %scan3A_7 step %scan3A_8 iter_args(%scan3A_20 = %scan3A) -> (i32)  : i32 {
      %mul3A_21 = arith.constant 128 : i32
      %mul3A_22 = arith.muli %scan3A_19, %mul3A_21 : i32
      %add3A_23 = arith.addi %mul3A_2, %mul3A_22 : i32
      "tpu.region"() ({
        %run_scoped3A = tpu.sem_alloc : memref<!tpu.dma_semaphore, #tpu.memory_space<semaphore_mem>>
        %dma_start3A = tpu.memref_slice %arg2[%add3A_23] : memref<327680xi32, #tpu.memory_space<hbm>> -> memref<128xi32, #tpu.memory_space<hbm>>
        %dma_start3A_25 = tpu.memref_slice %arg2[%add3A_23] : memref<327680xi32, #tpu.memory_space<hbm>> -> memref<128xi32, #tpu.memory_space<hbm>>
        tpu.enqueue_dma source(%dma_start3A_25 : memref<128xi32, #tpu.memory_space<hbm>>) target(%arg6 : memref<128xi32, #tpu.memory_space<vmem>>) target_semaphore(%run_scoped3A : memref<!tpu.dma_semaphore, #tpu.memory_space<semaphore_mem>>)
        %dma_wait3A = tpu.memref_slice %arg2[%add3A_23] : memref<327680xi32, #tpu.memory_space<hbm>> -> memref<128xi32, #tpu.memory_space<hbm>>
        %dma_wait3A_26 = tpu.memref_slice %arg2[%add3A_23] : memref<327680xi32, #tpu.memory_space<hbm>> -> memref<128xi32, #tpu.memory_space<hbm>>
        tpu.wait_dma2 semaphore(%run_scoped3A : memref<!tpu.dma_semaphore, #tpu.memory_space<semaphore_mem>>) src(%dma_wait3A_26 : memref<128xi32, #tpu.memory_space<hbm>>) dst(%arg6 : memref<128xi32, #tpu.memory_space<vmem>>)
        tpu.yield
      }) : () -> ()
      "tpu.region"() ({
        %run_scoped3A = tpu.sem_alloc : memref<!tpu.dma_semaphore, #tpu.memory_space<semaphore_mem>>
        %dma_start3A = arith.constant 0 : i32
        %dma_start3A_25 = arith.constant 0 : i32
        %dma_start3A_26 = tpu.memref_slice %arg8[%dma_start3A, %dma_start3A_25] : memref<10240x16xf32, #tpu.memory_space<vmem_shared>> -> memref<10240x16xf32, #tpu.memory_space<vmem_shared>>
        tpu.enqueue_indirect_dma source(%arg7 : memref<128x16xf32, #tpu.memory_space<vmem>>) target(%dma_start3A_26 : memref<10240x16xf32, #tpu.memory_space<vmem_shared>>) offsets(%arg6 : memref<128xi32, #tpu.memory_space<vmem>>) semaphore(%run_scoped3A : memref<!tpu.dma_semaphore, #tpu.memory_space<semaphore_mem>>) {add = true}
        %dma_wait3A = arith.constant 0 : i32
        %dma_wait3A_27 = arith.constant 0 : i32
        %dma_wait3A_28 = tpu.memref_slice %arg8[%dma_wait3A, %dma_wait3A_27] : memref<10240x16xf32, #tpu.memory_space<vmem_shared>> -> memref<10240x16xf32, #tpu.memory_space<vmem_shared>>
        tpu.wait_indirect_dma semaphore(%run_scoped3A : memref<!tpu.dma_semaphore, #tpu.memory_space<semaphore_mem>>) src(%arg7 : memref<128x16xf32, #tpu.memory_space<vmem>>) dst(%dma_wait3A_28 : memref<10240x16xf32, #tpu.memory_space<vmem_shared>>)
        tpu.yield
      }) : () -> ()
      %scan3A_24 = arith.constant 0 : i32
      scf.yield %scan3A_24 : i32
    }
    %scan3A_10 = arith.constant 80 : i32
    %barrier3A_11 = arith.constant 0 : index
    tpu.barrier barrier_id(%barrier3A_11)
    %mul3A_12 = arith.constant 640 : i32
    %mul3A_13 = arith.muli %arg1, %mul3A_12 : i32
    %mul3A_14 = arith.constant 10240 : i32
    %mul3A_15 = arith.muli %arg0, %mul3A_14 : i32
    %mul3A_16 = arith.constant 640 : i32
    %mul3A_17 = arith.muli %arg1, %mul3A_16 : i32
    %add3A_18 = arith.addi %mul3A_15, %mul3A_17 : i32
    "tpu.region"() ({
      %run_scoped3A = tpu.sem_alloc : memref<!tpu.dma_semaphore, #tpu.memory_space<semaphore_mem>>
      %dma_start3A = arith.constant 0 : i32
      %dma_start3A_19 = tpu.memref_slice %arg5[%add3A_18, %dma_start3A] : memref<20480x16xf32, #tpu.memory_space<hbm>> -> memref<640x16xf32, #tpu.memory_space<hbm>>
      %dma_start3A_20 = arith.constant 0 : i32
      %dma_start3A_21 = tpu.memref_slice %arg8[%mul3A_13, %dma_start3A_20] : memref<10240x16xf32, #tpu.memory_space<vmem_shared>> -> memref<640x16xf32, #tpu.memory_space<vmem_shared>>
      tpu.enqueue_dma source(%dma_start3A_21 : memref<640x16xf32, #tpu.memory_space<vmem_shared>>) target(%dma_start3A_19 : memref<640x16xf32, #tpu.memory_space<hbm>>) target_semaphore(%run_scoped3A : memref<!tpu.dma_semaphore, #tpu.memory_space<semaphore_mem>>)
      %dma_wait3A = arith.constant 0 : i32
      %dma_wait3A_22 = tpu.memref_slice %arg5[%add3A_18, %dma_wait3A] : memref<20480x16xf32, #tpu.memory_space<hbm>> -> memref<640x16xf32, #tpu.memory_space<hbm>>
      %dma_wait3A_23 = arith.constant 0 : i32
      %dma_wait3A_24 = tpu.memref_slice %arg8[%mul3A_13, %dma_wait3A_23] : memref<10240x16xf32, #tpu.memory_space<vmem_shared>> -> memref<640x16xf32, #tpu.memory_space<vmem_shared>>
      tpu.wait_dma2 semaphore(%run_scoped3A : memref<!tpu.dma_semaphore, #tpu.memory_space<semaphore_mem>>) src(%dma_wait3A_24 : memref<640x16xf32, #tpu.memory_space<vmem_shared>>) dst(%dma_wait3A_22 : memref<640x16xf32, #tpu.memory_space<hbm>>)
      tpu.yield
    }) : () -> ()
    return
  }
}

#map = affine_map<(d0, d1) -> (0)>
#map1 = affine_map<(d0, d1) -> (0, 0)>
module attributes {stable_mosaic.version = 14 : i64} {
  func.func @_sc_prop_body(%arg0: i32, %arg1: i32, %arg2: memref<327680xi32, #tpu.memory_space<hbm>>, %arg3: memref<327680xi32, #tpu.memory_space<hbm>>, %arg4: memref<10240x128xf32, #tpu.memory_space<hbm>>, %arg5: memref<640x128xf32, #tpu.memory_space<hbm>>, %arg6: memref<20480x128xf32, #tpu.memory_space<hbm>>, %arg7: memref<128xi32, #tpu.memory_space<vmem>>, %arg8: memref<128xi32, #tpu.memory_space<vmem>>, %arg9: memref<128x128xf32, #tpu.memory_space<vmem>>, %arg10: memref<!tpu.dma_semaphore, #tpu.memory_space<semaphore_mem>>, %arg11: memref<10240x128xf32, #tpu.memory_space<vmem_shared>>) attributes {dimension_semantics = [#tpu.dimension_semantics<core_parallel>, #tpu.dimension_semantics<subcore_parallel>], iteration_bounds = array<i64: 2, 16>, scalar_prefetch = 0 : i64, scratch_operands = 5 : i64, tpu.core_type = #tpu.core_type<sc_vector_subcore>, window_params = [{transform_indices = #map}, {transform_indices = #map}, {transform_indices = #map1}, {transform_indices = #map1}, {transform_indices = #map1}]} {
    %mul3A = arith.constant 16 : i32
    %mul3A_0 = arith.muli %arg0, %mul3A : i32
    %add3A = arith.addi %mul3A_0, %arg1 : i32
    %mul3A_1 = arith.constant 10240 : i32
    %mul3A_2 = arith.muli %add3A, %mul3A_1 : i32
    %mul3A_3 = arith.constant 640 : i32
    %mul3A_4 = arith.muli %arg1, %mul3A_3 : i32
    "tpu.region"() ({
      %run_scoped3A = tpu.sem_alloc : memref<!tpu.dma_semaphore, #tpu.memory_space<semaphore_mem>>
      %dma_start3A = arith.constant 0 : i32
      %dma_start3A_19 = tpu.memref_slice %arg11[%mul3A_4, %dma_start3A] : memref<10240x128xf32, #tpu.memory_space<vmem_shared>> -> memref<640x128xf32, #tpu.memory_space<vmem_shared>>
      tpu.enqueue_dma source(%arg5 : memref<640x128xf32, #tpu.memory_space<hbm>>) target(%dma_start3A_19 : memref<640x128xf32, #tpu.memory_space<vmem_shared>>) target_semaphore(%run_scoped3A : memref<!tpu.dma_semaphore, #tpu.memory_space<semaphore_mem>>)
      %dma_wait3A = arith.constant 0 : i32
      %dma_wait3A_20 = tpu.memref_slice %arg11[%mul3A_4, %dma_wait3A] : memref<10240x128xf32, #tpu.memory_space<vmem_shared>> -> memref<640x128xf32, #tpu.memory_space<vmem_shared>>
      tpu.wait_dma2 semaphore(%run_scoped3A : memref<!tpu.dma_semaphore, #tpu.memory_space<semaphore_mem>>) src(%arg5 : memref<640x128xf32, #tpu.memory_space<hbm>>) dst(%dma_wait3A_20 : memref<640x128xf32, #tpu.memory_space<vmem_shared>>)
      tpu.yield
    }) : () -> ()
    %barrier3A = arith.constant 0 : index
    tpu.barrier barrier_id(%barrier3A)
    %scan3A = arith.constant 0 : i32
    %scan3A_5 = arith.constant 0 : i32
    %scan3A_6 = arith.constant 80 : i32
    %scan3A_7 = arith.addi %scan3A_5, %scan3A_6 : i32
    %scan3A_8 = arith.constant 1 : i32
    %scan3A_9 = scf.for %scan3A_19 = %scan3A_5 to %scan3A_7 step %scan3A_8 iter_args(%scan3A_20 = %scan3A) -> (i32)  : i32 {
      %mul3A_21 = arith.constant 128 : i32
      %mul3A_22 = arith.muli %scan3A_19, %mul3A_21 : i32
      %add3A_23 = arith.addi %mul3A_2, %mul3A_22 : i32
      "tpu.region"() ({
        %run_scoped3A = tpu.sem_alloc : memref<!tpu.dma_semaphore, #tpu.memory_space<semaphore_mem>>
        %dma_start3A_32 = tpu.memref_slice %arg2[%add3A_23] : memref<327680xi32, #tpu.memory_space<hbm>> -> memref<128xi32, #tpu.memory_space<hbm>>
        %dma_start3A_33 = tpu.memref_slice %arg2[%add3A_23] : memref<327680xi32, #tpu.memory_space<hbm>> -> memref<128xi32, #tpu.memory_space<hbm>>
        tpu.enqueue_dma source(%dma_start3A_33 : memref<128xi32, #tpu.memory_space<hbm>>) target(%arg7 : memref<128xi32, #tpu.memory_space<vmem>>) target_semaphore(%run_scoped3A : memref<!tpu.dma_semaphore, #tpu.memory_space<semaphore_mem>>)
        %dma_wait3A_34 = tpu.memref_slice %arg2[%add3A_23] : memref<327680xi32, #tpu.memory_space<hbm>> -> memref<128xi32, #tpu.memory_space<hbm>>
        %dma_wait3A_35 = tpu.memref_slice %arg2[%add3A_23] : memref<327680xi32, #tpu.memory_space<hbm>> -> memref<128xi32, #tpu.memory_space<hbm>>
        tpu.wait_dma2 semaphore(%run_scoped3A : memref<!tpu.dma_semaphore, #tpu.memory_space<semaphore_mem>>) src(%dma_wait3A_35 : memref<128xi32, #tpu.memory_space<hbm>>) dst(%arg7 : memref<128xi32, #tpu.memory_space<vmem>>)
        tpu.yield
      }) : () -> ()
      %mul3A_24 = arith.constant 128 : i32
      %mul3A_25 = arith.muli %scan3A_19, %mul3A_24 : i32
      %add3A_26 = arith.addi %mul3A_2, %mul3A_25 : i32
      "tpu.region"() ({
        %run_scoped3A = tpu.sem_alloc : memref<!tpu.dma_semaphore, #tpu.memory_space<semaphore_mem>>
        %dma_start3A_32 = tpu.memref_slice %arg3[%add3A_26] : memref<327680xi32, #tpu.memory_space<hbm>> -> memref<128xi32, #tpu.memory_space<hbm>>
        %dma_start3A_33 = tpu.memref_slice %arg3[%add3A_26] : memref<327680xi32, #tpu.memory_space<hbm>> -> memref<128xi32, #tpu.memory_space<hbm>>
        tpu.enqueue_dma source(%dma_start3A_33 : memref<128xi32, #tpu.memory_space<hbm>>) target(%arg8 : memref<128xi32, #tpu.memory_space<vmem>>) target_semaphore(%run_scoped3A : memref<!tpu.dma_semaphore, #tpu.memory_space<semaphore_mem>>)
        %dma_wait3A_34 = tpu.memref_slice %arg3[%add3A_26] : memref<327680xi32, #tpu.memory_space<hbm>> -> memref<128xi32, #tpu.memory_space<hbm>>
        %dma_wait3A_35 = tpu.memref_slice %arg3[%add3A_26] : memref<327680xi32, #tpu.memory_space<hbm>> -> memref<128xi32, #tpu.memory_space<hbm>>
        tpu.wait_dma2 semaphore(%run_scoped3A : memref<!tpu.dma_semaphore, #tpu.memory_space<semaphore_mem>>) src(%dma_wait3A_35 : memref<128xi32, #tpu.memory_space<hbm>>) dst(%arg8 : memref<128xi32, #tpu.memory_space<vmem>>)
        tpu.yield
      }) : () -> ()
      %dma_start3A = arith.constant 0 : i32
      %dma_start3A_27 = arith.constant 0 : i32
      %dma_start3A_28 = tpu.memref_slice %arg4[%dma_start3A, %dma_start3A_27] : memref<10240x128xf32, #tpu.memory_space<hbm>> -> memref<10240x128xf32, #tpu.memory_space<hbm>>
      tpu.enqueue_indirect_dma source(%dma_start3A_28 : memref<10240x128xf32, #tpu.memory_space<hbm>>) target(%arg9 : memref<128x128xf32, #tpu.memory_space<vmem>>) offsets(%arg7 : memref<128xi32, #tpu.memory_space<vmem>>) semaphore(%arg10 : memref<!tpu.dma_semaphore, #tpu.memory_space<semaphore_mem>>)
      %dma_wait3A = arith.constant 0 : i32
      %dma_wait3A_29 = arith.constant 0 : i32
      %dma_wait3A_30 = tpu.memref_slice %arg4[%dma_wait3A, %dma_wait3A_29] : memref<10240x128xf32, #tpu.memory_space<hbm>> -> memref<10240x128xf32, #tpu.memory_space<hbm>>
      tpu.wait_indirect_dma semaphore(%arg10 : memref<!tpu.dma_semaphore, #tpu.memory_space<semaphore_mem>>) src(%dma_wait3A_30 : memref<10240x128xf32, #tpu.memory_space<hbm>>) dst(%arg9 : memref<128x128xf32, #tpu.memory_space<vmem>>)
      "tpu.region"() ({
        %run_scoped3A = tpu.sem_alloc : memref<!tpu.dma_semaphore, #tpu.memory_space<semaphore_mem>>
        %dma_start3A_32 = arith.constant 0 : i32
        %dma_start3A_33 = arith.constant 0 : i32
        %dma_start3A_34 = tpu.memref_slice %arg11[%dma_start3A_32, %dma_start3A_33] : memref<10240x128xf32, #tpu.memory_space<vmem_shared>> -> memref<10240x128xf32, #tpu.memory_space<vmem_shared>>
        tpu.enqueue_indirect_dma source(%arg9 : memref<128x128xf32, #tpu.memory_space<vmem>>) target(%dma_start3A_34 : memref<10240x128xf32, #tpu.memory_space<vmem_shared>>) offsets(%arg8 : memref<128xi32, #tpu.memory_space<vmem>>) semaphore(%run_scoped3A : memref<!tpu.dma_semaphore, #tpu.memory_space<semaphore_mem>>) {add = true}
        %dma_wait3A_35 = arith.constant 0 : i32
        %dma_wait3A_36 = arith.constant 0 : i32
        %dma_wait3A_37 = tpu.memref_slice %arg11[%dma_wait3A_35, %dma_wait3A_36] : memref<10240x128xf32, #tpu.memory_space<vmem_shared>> -> memref<10240x128xf32, #tpu.memory_space<vmem_shared>>
        tpu.wait_indirect_dma semaphore(%run_scoped3A : memref<!tpu.dma_semaphore, #tpu.memory_space<semaphore_mem>>) src(%arg9 : memref<128x128xf32, #tpu.memory_space<vmem>>) dst(%dma_wait3A_37 : memref<10240x128xf32, #tpu.memory_space<vmem_shared>>)
        tpu.yield
      }) : () -> ()
      %scan3A_31 = arith.constant 0 : i32
      scf.yield %scan3A_31 : i32
    }
    %scan3A_10 = arith.constant 80 : i32
    %barrier3A_11 = arith.constant 0 : index
    tpu.barrier barrier_id(%barrier3A_11)
    %mul3A_12 = arith.constant 640 : i32
    %mul3A_13 = arith.muli %arg1, %mul3A_12 : i32
    %mul3A_14 = arith.constant 10240 : i32
    %mul3A_15 = arith.muli %arg0, %mul3A_14 : i32
    %mul3A_16 = arith.constant 640 : i32
    %mul3A_17 = arith.muli %arg1, %mul3A_16 : i32
    %add3A_18 = arith.addi %mul3A_15, %mul3A_17 : i32
    "tpu.region"() ({
      %run_scoped3A = tpu.sem_alloc : memref<!tpu.dma_semaphore, #tpu.memory_space<semaphore_mem>>
      %dma_start3A = arith.constant 0 : i32
      %dma_start3A_19 = tpu.memref_slice %arg6[%add3A_18, %dma_start3A] : memref<20480x128xf32, #tpu.memory_space<hbm>> -> memref<640x128xf32, #tpu.memory_space<hbm>>
      %dma_start3A_20 = arith.constant 0 : i32
      %dma_start3A_21 = tpu.memref_slice %arg11[%mul3A_13, %dma_start3A_20] : memref<10240x128xf32, #tpu.memory_space<vmem_shared>> -> memref<640x128xf32, #tpu.memory_space<vmem_shared>>
      tpu.enqueue_dma source(%dma_start3A_21 : memref<640x128xf32, #tpu.memory_space<vmem_shared>>) target(%dma_start3A_19 : memref<640x128xf32, #tpu.memory_space<hbm>>) target_semaphore(%run_scoped3A : memref<!tpu.dma_semaphore, #tpu.memory_space<semaphore_mem>>)
      %dma_wait3A = arith.constant 0 : i32
      %dma_wait3A_22 = tpu.memref_slice %arg6[%add3A_18, %dma_wait3A] : memref<20480x128xf32, #tpu.memory_space<hbm>> -> memref<640x128xf32, #tpu.memory_space<hbm>>
      %dma_wait3A_23 = arith.constant 0 : i32
      %dma_wait3A_24 = tpu.memref_slice %arg11[%mul3A_13, %dma_wait3A_23] : memref<10240x128xf32, #tpu.memory_space<vmem_shared>> -> memref<640x128xf32, #tpu.memory_space<vmem_shared>>
      tpu.wait_dma2 semaphore(%run_scoped3A : memref<!tpu.dma_semaphore, #tpu.memory_space<semaphore_mem>>) src(%dma_wait3A_24 : memref<640x128xf32, #tpu.memory_space<vmem_shared>>) dst(%dma_wait3A_22 : memref<640x128xf32, #tpu.memory_space<hbm>>)
      tpu.yield
    }) : () -> ()
    return
  }
}

#map = affine_map<(d0, d1) -> (0)>
#map1 = affine_map<(d0, d1) -> (0, 0)>
module attributes {stable_mosaic.version = 14 : i64} {
  func.func @_sc_prop_body(%arg0: i32, %arg1: i32, %arg2: memref<327680xi32, #tpu.memory_space<hbm>>, %arg3: memref<327680xi32, #tpu.memory_space<hbm>>, %arg4: memref<10240x128xf32, #tpu.memory_space<hbm>>, %arg5: memref<640x128xf32, #tpu.memory_space<hbm>>, %arg6: memref<20480x128xf32, #tpu.memory_space<hbm>>, %arg7: memref<128xi32, #tpu.memory_space<vmem>>, %arg8: memref<128xi32, #tpu.memory_space<vmem>>, %arg9: memref<128x128xf32, #tpu.memory_space<vmem>>, %arg10: memref<!tpu.dma_semaphore, #tpu.memory_space<semaphore_mem>>, %arg11: memref<10240x128xf32, #tpu.memory_space<vmem_shared>>) attributes {dimension_semantics = [#tpu.dimension_semantics<core_parallel>, #tpu.dimension_semantics<subcore_parallel>], iteration_bounds = array<i64: 2, 16>, scalar_prefetch = 0 : i64, scratch_operands = 5 : i64, tpu.core_type = #tpu.core_type<sc_vector_subcore>, window_params = [{transform_indices = #map}, {transform_indices = #map}, {transform_indices = #map1}, {transform_indices = #map1}, {transform_indices = #map1}]} {
    %mul3A = arith.constant 16 : i32
    %mul3A_0 = arith.muli %arg0, %mul3A : i32
    %add3A = arith.addi %mul3A_0, %arg1 : i32
    %mul3A_1 = arith.constant 10240 : i32
    %mul3A_2 = arith.muli %add3A, %mul3A_1 : i32
    %mul3A_3 = arith.constant 640 : i32
    %mul3A_4 = arith.muli %arg1, %mul3A_3 : i32
    "tpu.region"() ({
      %run_scoped3A = tpu.sem_alloc : memref<!tpu.dma_semaphore, #tpu.memory_space<semaphore_mem>>
      %dma_start3A = arith.constant 0 : i32
      %dma_start3A_19 = tpu.memref_slice %arg11[%mul3A_4, %dma_start3A] : memref<10240x128xf32, #tpu.memory_space<vmem_shared>> -> memref<640x128xf32, #tpu.memory_space<vmem_shared>>
      tpu.enqueue_dma source(%arg5 : memref<640x128xf32, #tpu.memory_space<hbm>>) target(%dma_start3A_19 : memref<640x128xf32, #tpu.memory_space<vmem_shared>>) target_semaphore(%run_scoped3A : memref<!tpu.dma_semaphore, #tpu.memory_space<semaphore_mem>>)
      %dma_wait3A = arith.constant 0 : i32
      %dma_wait3A_20 = tpu.memref_slice %arg11[%mul3A_4, %dma_wait3A] : memref<10240x128xf32, #tpu.memory_space<vmem_shared>> -> memref<640x128xf32, #tpu.memory_space<vmem_shared>>
      tpu.wait_dma2 semaphore(%run_scoped3A : memref<!tpu.dma_semaphore, #tpu.memory_space<semaphore_mem>>) src(%arg5 : memref<640x128xf32, #tpu.memory_space<hbm>>) dst(%dma_wait3A_20 : memref<640x128xf32, #tpu.memory_space<vmem_shared>>)
      tpu.yield
    }) : () -> ()
    %barrier3A = arith.constant 0 : index
    tpu.barrier barrier_id(%barrier3A)
    %scan3A = arith.constant 0 : i32
    %scan3A_5 = arith.constant 0 : i32
    %scan3A_6 = arith.constant 80 : i32
    %scan3A_7 = arith.addi %scan3A_5, %scan3A_6 : i32
    %scan3A_8 = arith.constant 1 : i32
    %scan3A_9 = scf.for %scan3A_19 = %scan3A_5 to %scan3A_7 step %scan3A_8 iter_args(%scan3A_20 = %scan3A) -> (i32)  : i32 {
      %mul3A_21 = arith.constant 128 : i32
      %mul3A_22 = arith.muli %scan3A_19, %mul3A_21 : i32
      %add3A_23 = arith.addi %mul3A_2, %mul3A_22 : i32
      "tpu.region"() ({
        %run_scoped3A = tpu.sem_alloc : memref<!tpu.dma_semaphore, #tpu.memory_space<semaphore_mem>>
        %dma_start3A_32 = tpu.memref_slice %arg2[%add3A_23] : memref<327680xi32, #tpu.memory_space<hbm>> -> memref<128xi32, #tpu.memory_space<hbm>>
        %dma_start3A_33 = tpu.memref_slice %arg2[%add3A_23] : memref<327680xi32, #tpu.memory_space<hbm>> -> memref<128xi32, #tpu.memory_space<hbm>>
        tpu.enqueue_dma source(%dma_start3A_33 : memref<128xi32, #tpu.memory_space<hbm>>) target(%arg7 : memref<128xi32, #tpu.memory_space<vmem>>) target_semaphore(%run_scoped3A : memref<!tpu.dma_semaphore, #tpu.memory_space<semaphore_mem>>)
        %dma_wait3A_34 = tpu.memref_slice %arg2[%add3A_23] : memref<327680xi32, #tpu.memory_space<hbm>> -> memref<128xi32, #tpu.memory_space<hbm>>
        %dma_wait3A_35 = tpu.memref_slice %arg2[%add3A_23] : memref<327680xi32, #tpu.memory_space<hbm>> -> memref<128xi32, #tpu.memory_space<hbm>>
        tpu.wait_dma2 semaphore(%run_scoped3A : memref<!tpu.dma_semaphore, #tpu.memory_space<semaphore_mem>>) src(%dma_wait3A_35 : memref<128xi32, #tpu.memory_space<hbm>>) dst(%arg7 : memref<128xi32, #tpu.memory_space<vmem>>)
        tpu.yield
      }) : () -> ()
      %mul3A_24 = arith.constant 128 : i32
      %mul3A_25 = arith.muli %scan3A_19, %mul3A_24 : i32
      %add3A_26 = arith.addi %mul3A_2, %mul3A_25 : i32
      "tpu.region"() ({
        %run_scoped3A = tpu.sem_alloc : memref<!tpu.dma_semaphore, #tpu.memory_space<semaphore_mem>>
        %dma_start3A_32 = tpu.memref_slice %arg3[%add3A_26] : memref<327680xi32, #tpu.memory_space<hbm>> -> memref<128xi32, #tpu.memory_space<hbm>>
        %dma_start3A_33 = tpu.memref_slice %arg3[%add3A_26] : memref<327680xi32, #tpu.memory_space<hbm>> -> memref<128xi32, #tpu.memory_space<hbm>>
        tpu.enqueue_dma source(%dma_start3A_33 : memref<128xi32, #tpu.memory_space<hbm>>) target(%arg8 : memref<128xi32, #tpu.memory_space<vmem>>) target_semaphore(%run_scoped3A : memref<!tpu.dma_semaphore, #tpu.memory_space<semaphore_mem>>)
        %dma_wait3A_34 = tpu.memref_slice %arg3[%add3A_26] : memref<327680xi32, #tpu.memory_space<hbm>> -> memref<128xi32, #tpu.memory_space<hbm>>
        %dma_wait3A_35 = tpu.memref_slice %arg3[%add3A_26] : memref<327680xi32, #tpu.memory_space<hbm>> -> memref<128xi32, #tpu.memory_space<hbm>>
        tpu.wait_dma2 semaphore(%run_scoped3A : memref<!tpu.dma_semaphore, #tpu.memory_space<semaphore_mem>>) src(%dma_wait3A_35 : memref<128xi32, #tpu.memory_space<hbm>>) dst(%arg8 : memref<128xi32, #tpu.memory_space<vmem>>)
        tpu.yield
      }) : () -> ()
      %dma_start3A = arith.constant 0 : i32
      %dma_start3A_27 = arith.constant 0 : i32
      %dma_start3A_28 = tpu.memref_slice %arg4[%dma_start3A, %dma_start3A_27] : memref<10240x128xf32, #tpu.memory_space<hbm>> -> memref<10240x128xf32, #tpu.memory_space<hbm>>
      tpu.enqueue_indirect_dma source(%dma_start3A_28 : memref<10240x128xf32, #tpu.memory_space<hbm>>) target(%arg9 : memref<128x128xf32, #tpu.memory_space<vmem>>) offsets(%arg7 : memref<128xi32, #tpu.memory_space<vmem>>) semaphore(%arg10 : memref<!tpu.dma_semaphore, #tpu.memory_space<semaphore_mem>>)
      %dma_wait3A = arith.constant 0 : i32
      %dma_wait3A_29 = arith.constant 0 : i32
      %dma_wait3A_30 = tpu.memref_slice %arg4[%dma_wait3A, %dma_wait3A_29] : memref<10240x128xf32, #tpu.memory_space<hbm>> -> memref<10240x128xf32, #tpu.memory_space<hbm>>
      tpu.wait_indirect_dma semaphore(%arg10 : memref<!tpu.dma_semaphore, #tpu.memory_space<semaphore_mem>>) src(%dma_wait3A_30 : memref<10240x128xf32, #tpu.memory_space<hbm>>) dst(%arg9 : memref<128x128xf32, #tpu.memory_space<vmem>>)
      "tpu.region"() ({
        %run_scoped3A = tpu.sem_alloc : memref<!tpu.dma_semaphore, #tpu.memory_space<semaphore_mem>>
        %dma_start3A_32 = arith.constant 0 : i32
        %dma_start3A_33 = arith.constant 0 : i32
        %dma_start3A_34 = tpu.memref_slice %arg11[%dma_start3A_32, %dma_start3A_33] : memref<10240x128xf32, #tpu.memory_space<vmem_shared>> -> memref<10240x128xf32, #tpu.memory_space<vmem_shared>>
        tpu.enqueue_indirect_dma source(%arg9 : memref<128x128xf32, #tpu.memory_space<vmem>>) target(%dma_start3A_34 : memref<10240x128xf32, #tpu.memory_space<vmem_shared>>) offsets(%arg8 : memref<128xi32, #tpu.memory_space<vmem>>) semaphore(%run_scoped3A : memref<!tpu.dma_semaphore, #tpu.memory_space<semaphore_mem>>) {add = true}
        %dma_wait3A_35 = arith.constant 0 : i32
        %dma_wait3A_36 = arith.constant 0 : i32
        %dma_wait3A_37 = tpu.memref_slice %arg11[%dma_wait3A_35, %dma_wait3A_36] : memref<10240x128xf32, #tpu.memory_space<vmem_shared>> -> memref<10240x128xf32, #tpu.memory_space<vmem_shared>>
        tpu.wait_indirect_dma semaphore(%run_scoped3A : memref<!tpu.dma_semaphore, #tpu.memory_space<semaphore_mem>>) src(%arg9 : memref<128x128xf32, #tpu.memory_space<vmem>>) dst(%dma_wait3A_37 : memref<10240x128xf32, #tpu.memory_space<vmem_shared>>)
        tpu.yield
      }) : () -> ()
      %scan3A_31 = arith.constant 0 : i32
      scf.yield %scan3A_31 : i32
    }
    %scan3A_10 = arith.constant 80 : i32
    %barrier3A_11 = arith.constant 0 : index
    tpu.barrier barrier_id(%barrier3A_11)
    %mul3A_12 = arith.constant 640 : i32
    %mul3A_13 = arith.muli %arg1, %mul3A_12 : i32
    %mul3A_14 = arith.constant 10240 : i32
    %mul3A_15 = arith.muli %arg0, %mul3A_14 : i32
    %mul3A_16 = arith.constant 640 : i32
    %mul3A_17 = arith.muli %arg1, %mul3A_16 : i32
    %add3A_18 = arith.addi %mul3A_15, %mul3A_17 : i32
    "tpu.region"() ({
      %run_scoped3A = tpu.sem_alloc : memref<!tpu.dma_semaphore, #tpu.memory_space<semaphore_mem>>
      %dma_start3A = arith.constant 0 : i32
      %dma_start3A_19 = tpu.memref_slice %arg6[%add3A_18, %dma_start3A] : memref<20480x128xf32, #tpu.memory_space<hbm>> -> memref<640x128xf32, #tpu.memory_space<hbm>>
      %dma_start3A_20 = arith.constant 0 : i32
      %dma_start3A_21 = tpu.memref_slice %arg11[%mul3A_13, %dma_start3A_20] : memref<10240x128xf32, #tpu.memory_space<vmem_shared>> -> memref<640x128xf32, #tpu.memory_space<vmem_shared>>
      tpu.enqueue_dma source(%dma_start3A_21 : memref<640x128xf32, #tpu.memory_space<vmem_shared>>) target(%dma_start3A_19 : memref<640x128xf32, #tpu.memory_space<hbm>>) target_semaphore(%run_scoped3A : memref<!tpu.dma_semaphore, #tpu.memory_space<semaphore_mem>>)
      %dma_wait3A = arith.constant 0 : i32
      %dma_wait3A_22 = tpu.memref_slice %arg6[%add3A_18, %dma_wait3A] : memref<20480x128xf32, #tpu.memory_space<hbm>> -> memref<640x128xf32, #tpu.memory_space<hbm>>
      %dma_wait3A_23 = arith.constant 0 : i32
      %dma_wait3A_24 = tpu.memref_slice %arg11[%mul3A_13, %dma_wait3A_23] : memref<10240x128xf32, #tpu.memory_space<vmem_shared>> -> memref<640x128xf32, #tpu.memory_space<vmem_shared>>
      tpu.wait_dma2 semaphore(%run_scoped3A : memref<!tpu.dma_semaphore, #tpu.memory_space<semaphore_mem>>) src(%dma_wait3A_24 : memref<640x128xf32, #tpu.memory_space<vmem_shared>>) dst(%dma_wait3A_22 : memref<640x128xf32, #tpu.memory_space<hbm>>)
      tpu.yield
    }) : () -> ()
    return
  }
}

module attributes {stable_mosaic.version = 14 : i64} {
  func.func @_pre_body(%arg0: i32, %arg1: memref<512x128xf32, #tpu.memory_space<vmem>>, %arg2: memref<128x128xf32, #tpu.memory_space<vmem>>, %arg3: memref<512x16xf32, #tpu.memory_space<vmem>>, %arg4: memref<512x16xf32, #tpu.memory_space<vmem>>, %arg5: memref<512x1xf32, #tpu.memory_space<vmem>>, %arg6: memref<512x128xf32, #tpu.memory_space<vmem>>, %arg7: memref<512x128xf32, #tpu.memory_space<vmem>>) attributes {dimension_semantics = [#tpu.dimension_semantics<arbitrary>], iteration_bounds = array<i64: 20>, scalar_prefetch = 0 : i64, scratch_operands = 0 : i64, tpu.core_type = #tpu.core_type<tc>, window_params = [{transform_indices = @transform_0, window_bounds = array<i64: 512, 128>}, {pipeline_mode = #tpu.pipeline_mode<synchronous>, transform_indices = @transform_1, window_bounds = array<i64: 128, 128>}, {transform_indices = @transform_2, window_bounds = array<i64: 512, 16>}, {transform_indices = @transform_3, window_bounds = array<i64: 512, 16>}, {transform_indices = @transform_4, window_bounds = array<i64: 512, 1>}, {transform_indices = @transform_5, window_bounds = array<i64: 512, 128>}, {transform_indices = @transform_6, window_bounds = array<i64: 512, 128>}]} {
    %get3A = arith.constant 0 : index
    %get3A_0 = arith.constant 0 : index
    %get3A_1 = vector.load %arg3[%get3A, %get3A_0] : memref<512x16xf32, #tpu.memory_space<vmem>>, vector<512x1xf32>
    %get3A_2 = arith.constant 0 : index
    %get3A_3 = arith.constant 0 : index
    %get3A_4 = vector.load %arg4[%get3A_2, %get3A_3] : memref<512x16xf32, #tpu.memory_space<vmem>>, vector<512x1xf32>
    %add3A = arith.addf %get3A_1, %get3A_4 : vector<512x1xf32>
    %add3A_5 = arith.constant 1.000000e+00 : f32
    %add3A_6 = vector.broadcast %add3A_5 : f32 to vector<512x1xf32>
    %add3A_7 = arith.addf %add3A, %add3A_6 : vector<512x1xf32>
    %rsqrt3A = math.rsqrt %add3A_7 : vector<512x1xf32>
    %get3A_8 = arith.constant 0 : index
    %get3A_9 = arith.constant 0 : index
    %get3A_10 = vector.load %arg1[%get3A_8, %get3A_9] : memref<512x128xf32, #tpu.memory_space<vmem>>, vector<512x128xf32>
    %get3A_11 = arith.constant 0 : index
    %get3A_12 = arith.constant 0 : index
    %get3A_13 = vector.load %arg2[%get3A_11, %get3A_12] : memref<128x128xf32, #tpu.memory_space<vmem>>, vector<128x128xf32>
    %dot_general3A = arith.constant dense<0.000000e+00> : vector<512x128xf32>
    %dot_general3A_14 = tpu.matmul %get3A_10, %get3A_13, %dot_general3A {dimension_numbers = #tpu.dot_dimension_numbers<[1], [0], [0], [1], [0, 0, 1, 1], [], []>, transpose_lhs_hint = false} : vector<512x128xf32>, vector<128x128xf32>, vector<512x128xf32> -> vector<512x128xf32>
    %swap3A = arith.constant 0 : index
    %swap3A_15 = arith.constant 0 : index
    %swap3A_16 = vector.load %arg5[%swap3A, %swap3A_15] : memref<512x1xf32, #tpu.memory_space<vmem>>, vector<512x1xf32>
    tpu.vector_store %arg5[%swap3A, %swap3A_15], %rsqrt3A {strides = array<i32>} : memref<512x1xf32, #tpu.memory_space<vmem>>, vector<512x1xf32>,
    %swap3A_17 = arith.constant 0 : index
    %swap3A_18 = arith.constant 0 : index
    %swap3A_19 = vector.load %arg6[%swap3A_17, %swap3A_18] : memref<512x128xf32, #tpu.memory_space<vmem>>, vector<512x128xf32>
    tpu.vector_store %arg6[%swap3A_17, %swap3A_18], %dot_general3A_14 {strides = array<i32>} : memref<512x128xf32, #tpu.memory_space<vmem>>, vector<512x128xf32>,
    %mul3A = vector.broadcast %rsqrt3A : vector<512x1xf32> to vector<512x128xf32>
    %mul3A_20 = arith.mulf %dot_general3A_14, %mul3A : vector<512x128xf32>
    %swap3A_21 = arith.constant 0 : index
    %swap3A_22 = arith.constant 0 : index
    %swap3A_23 = vector.load %arg7[%swap3A_21, %swap3A_22] : memref<512x128xf32, #tpu.memory_space<vmem>>, vector<512x128xf32>
    tpu.vector_store %arg7[%swap3A_21, %swap3A_22], %mul3A_20 {strides = array<i32>} : memref<512x128xf32, #tpu.memory_space<vmem>>, vector<512x128xf32>,
    return
  }
  func.func @transform_0(%arg0: i32) -> (i32, i32) {
    %c0_i32 = arith.constant 0 : i32
    %c0_i32_0 = arith.constant 0 : i32
    return %arg0, %c0_i32 : i32, i32
  }
  func.func @transform_1(%arg0: i32) -> (i32, i32) {
    %c0_i32 = arith.constant 0 : i32
    %c0_i32_0 = arith.constant 0 : i32
    %c0_i32_1 = arith.constant 0 : i32
    return %c0_i32, %c0_i32_0 : i32, i32
  }
  func.func @transform_2(%arg0: i32) -> (i32, i32) {
    %c0_i32 = arith.constant 0 : i32
    %c0_i32_0 = arith.constant 0 : i32
    return %arg0, %c0_i32 : i32, i32
  }
  func.func @transform_3(%arg0: i32) -> (i32, i32) {
    %add3A = arith.constant 20 : i32
    %add3A_0 = arith.addi %arg0, %add3A : i32
    %c0_i32 = arith.constant 0 : i32
    %c0_i32_1 = arith.constant 0 : i32
    return %add3A_0, %c0_i32 : i32, i32
  }
  func.func @transform_4(%arg0: i32) -> (i32, i32) {
    %c0_i32 = arith.constant 0 : i32
    %c0_i32_0 = arith.constant 0 : i32
    return %arg0, %c0_i32 : i32, i32
  }
  func.func @transform_5(%arg0: i32) -> (i32, i32) {
    %c0_i32 = arith.constant 0 : i32
    %c0_i32_0 = arith.constant 0 : i32
    return %arg0, %c0_i32 : i32, i32
  }
  func.func @transform_6(%arg0: i32) -> (i32, i32) {
    %c0_i32 = arith.constant 0 : i32
    %c0_i32_0 = arith.constant 0 : i32
    return %arg0, %c0_i32 : i32, i32
  }
}

module attributes {stable_mosaic.version = 14 : i64} {
  func.func @_mid_body(%arg0: i32, %arg1: memref<512x128xf32, #tpu.memory_space<vmem>>, %arg2: memref<512x128xf32, #tpu.memory_space<vmem>>, %arg3: memref<512x128xf32, #tpu.memory_space<vmem>>, %arg4: memref<512x1xf32, #tpu.memory_space<vmem>>, %arg5: memref<1x128xf32, #tpu.memory_space<vmem>>, %arg6: memref<128x128xf32, #tpu.memory_space<vmem>>, %arg7: memref<512x128xf32, #tpu.memory_space<vmem>>, %arg8: memref<512x128xf32, #tpu.memory_space<vmem>>) attributes {dimension_semantics = [#tpu.dimension_semantics<arbitrary>], iteration_bounds = array<i64: 20>, scalar_prefetch = 0 : i64, scratch_operands = 0 : i64, tpu.core_type = #tpu.core_type<tc>, window_params = [{transform_indices = @transform_0, window_bounds = array<i64: 512, 128>}, {transform_indices = @transform_1, window_bounds = array<i64: 512, 128>}, {transform_indices = @transform_2, window_bounds = array<i64: 512, 128>}, {transform_indices = @transform_3, window_bounds = array<i64: 512, 1>}, {pipeline_mode = #tpu.pipeline_mode<synchronous>, transform_indices = @transform_4, window_bounds = array<i64: 1, 128>}, {pipeline_mode = #tpu.pipeline_mode<synchronous>, transform_indices = @transform_5, window_bounds = array<i64: 128, 128>}, {transform_indices = @transform_6, window_bounds = array<i64: 512, 128>}, {transform_indices = @transform_7, window_bounds = array<i64: 512, 128>}]} {
    %get3A = arith.constant 0 : index
    %get3A_0 = arith.constant 0 : index
    %get3A_1 = vector.load %arg4[%get3A, %get3A_0] : memref<512x1xf32, #tpu.memory_space<vmem>>, vector<512x1xf32>
    %get3A_2 = arith.constant 0 : index
    %get3A_3 = arith.constant 0 : index
    %get3A_4 = vector.load %arg1[%get3A_2, %get3A_3] : memref<512x128xf32, #tpu.memory_space<vmem>>, vector<512x128xf32>
    %get3A_5 = arith.constant 0 : index
    %get3A_6 = arith.constant 0 : index
    %get3A_7 = vector.load %arg2[%get3A_5, %get3A_6] : memref<512x128xf32, #tpu.memory_space<vmem>>, vector<512x128xf32>
    %add3A = arith.addf %get3A_4, %get3A_7 : vector<512x128xf32>
    %mul3A = vector.broadcast %get3A_1 : vector<512x1xf32> to vector<512x128xf32>
    %mul3A_8 = arith.mulf %add3A, %mul3A : vector<512x128xf32>
    %get3A_9 = arith.constant 0 : index
    %get3A_10 = arith.constant 0 : index
    %get3A_11 = vector.load %arg3[%get3A_9, %get3A_10] : memref<512x128xf32, #tpu.memory_space<vmem>>, vector<512x128xf32>
    %mul3A_12 = arith.mulf %get3A_1, %get3A_1 : vector<512x1xf32>
    %mul3A_13 = vector.broadcast %mul3A_12 : vector<512x1xf32> to vector<512x128xf32>
    %mul3A_14 = arith.mulf %get3A_11, %mul3A_13 : vector<512x128xf32>
    %add3A_15 = arith.addf %mul3A_8, %mul3A_14 : vector<512x128xf32>
    %get3A_16 = arith.constant 0 : index
    %get3A_17 = arith.constant 0 : index
    %get3A_18 = vector.load %arg5[%get3A_16, %get3A_17] : memref<1x128xf32, #tpu.memory_space<vmem>>, vector<1x128xf32>
    %add3A_19 = vector.broadcast %get3A_18 : vector<1x128xf32> to vector<512x128xf32>
    %add3A_20 = arith.addf %add3A_15, %add3A_19 : vector<512x128xf32>
    %max3A = arith.constant 0.000000e+00 : f32
    %max3A_21 = vector.broadcast %max3A : f32 to vector<512x128xf32>
    %max3A_22 = arith.maximumf %add3A_20, %max3A_21 : vector<512x128xf32>
    %get3A_23 = arith.constant 0 : index
    %get3A_24 = arith.constant 0 : index
    %get3A_25 = vector.load %arg6[%get3A_23, %get3A_24] : memref<128x128xf32, #tpu.memory_space<vmem>>, vector<128x128xf32>
    %dot_general3A = arith.constant dense<0.000000e+00> : vector<512x128xf32>
    %dot_general3A_26 = tpu.matmul %max3A_22, %get3A_25, %dot_general3A {dimension_numbers = #tpu.dot_dimension_numbers<[1], [0], [0], [1], [0, 0, 1, 1], [], []>, transpose_lhs_hint = false} : vector<512x128xf32>, vector<128x128xf32>, vector<512x128xf32> -> vector<512x128xf32>
    %swap3A = arith.constant 0 : index
    %swap3A_27 = arith.constant 0 : index
    %swap3A_28 = vector.load %arg7[%swap3A, %swap3A_27] : memref<512x128xf32, #tpu.memory_space<vmem>>, vector<512x128xf32>
    tpu.vector_store %arg7[%swap3A, %swap3A_27], %dot_general3A_26 {strides = array<i32>} : memref<512x128xf32, #tpu.memory_space<vmem>>, vector<512x128xf32>,
    %mul3A_29 = vector.broadcast %get3A_1 : vector<512x1xf32> to vector<512x128xf32>
    %mul3A_30 = arith.mulf %dot_general3A_26, %mul3A_29 : vector<512x128xf32>
    %swap3A_31 = arith.constant 0 : index
    %swap3A_32 = arith.constant 0 : index
    %swap3A_33 = vector.load %arg8[%swap3A_31, %swap3A_32] : memref<512x128xf32, #tpu.memory_space<vmem>>, vector<512x128xf32>
    tpu.vector_store %arg8[%swap3A_31, %swap3A_32], %mul3A_30 {strides = array<i32>} : memref<512x128xf32, #tpu.memory_space<vmem>>, vector<512x128xf32>,
    return
  }
  func.func @transform_0(%arg0: i32) -> (i32, i32) {
    %c0_i32 = arith.constant 0 : i32
    %c0_i32_0 = arith.constant 0 : i32
    return %arg0, %c0_i32 : i32, i32
  }
  func.func @transform_1(%arg0: i32) -> (i32, i32) {
    %add3A = arith.constant 20 : i32
    %add3A_0 = arith.addi %arg0, %add3A : i32
    %c0_i32 = arith.constant 0 : i32
    %c0_i32_1 = arith.constant 0 : i32
    return %add3A_0, %c0_i32 : i32, i32
  }
  func.func @transform_2(%arg0: i32) -> (i32, i32) {
    %c0_i32 = arith.constant 0 : i32
    %c0_i32_0 = arith.constant 0 : i32
    return %arg0, %c0_i32 : i32, i32
  }
  func.func @transform_3(%arg0: i32) -> (i32, i32) {
    %c0_i32 = arith.constant 0 : i32
    %c0_i32_0 = arith.constant 0 : i32
    return %arg0, %c0_i32 : i32, i32
  }
  func.func @transform_4(%arg0: i32) -> (i32, i32) {
    %c0_i32 = arith.constant 0 : i32
    %c0_i32_0 = arith.constant 0 : i32
    %c0_i32_1 = arith.constant 0 : i32
    return %c0_i32, %c0_i32_0 : i32, i32
  }
  func.func @transform_5(%arg0: i32) -> (i32, i32) {
    %c0_i32 = arith.constant 0 : i32
    %c0_i32_0 = arith.constant 0 : i32
    %c0_i32_1 = arith.constant 0 : i32
    return %c0_i32, %c0_i32_0 : i32, i32
  }
  func.func @transform_6(%arg0: i32) -> (i32, i32) {
    %c0_i32 = arith.constant 0 : i32
    %c0_i32_0 = arith.constant 0 : i32
    return %arg0, %c0_i32 : i32, i32
  }
  func.func @transform_7(%arg0: i32) -> (i32, i32) {
    %c0_i32 = arith.constant 0 : i32
    %c0_i32_0 = arith.constant 0 : i32
    return %arg0, %c0_i32 : i32, i32
  }
}

module attributes {stable_mosaic.version = 14 : i64} {
  func.func @_final_body(%arg0: i32, %arg1: memref<512x128xf32, #tpu.memory_space<vmem>>, %arg2: memref<512x128xf32, #tpu.memory_space<vmem>>, %arg3: memref<512x128xf32, #tpu.memory_space<vmem>>, %arg4: memref<512x1xf32, #tpu.memory_space<vmem>>, %arg5: memref<1x128xf32, #tpu.memory_space<vmem>>, %arg6: memref<512x1xi32, #tpu.memory_space<vmem>>, %arg7: memref<128x1xf32, #tpu.memory_space<vmem>>, %arg8: memref<1x1xf32, #tpu.memory_space<vmem>>, %arg9: memref<64x1xf32, #tpu.memory_space<vmem>>, %arg10: memref<64x128xf32, #tpu.memory_space<vmem>>, %arg11: memref<64x1xf32, #tpu.memory_space<vmem>>) attributes {dimension_semantics = [#tpu.dimension_semantics<arbitrary>], iteration_bounds = array<i64: 20>, scalar_prefetch = 0 : i64, scratch_operands = 2 : i64, tpu.core_type = #tpu.core_type<tc>, window_params = [{transform_indices = @transform_0, window_bounds = array<i64: 512, 128>}, {transform_indices = @transform_1, window_bounds = array<i64: 512, 128>}, {transform_indices = @transform_2, window_bounds = array<i64: 512, 128>}, {transform_indices = @transform_3, window_bounds = array<i64: 512, 1>}, {pipeline_mode = #tpu.pipeline_mode<synchronous>, transform_indices = @transform_4, window_bounds = array<i64: 1, 128>}, {transform_indices = @transform_5, window_bounds = array<i64: 512, 1>}, {pipeline_mode = #tpu.pipeline_mode<synchronous>, transform_indices = @transform_6, window_bounds = array<i64: 128, 1>}, {pipeline_mode = #tpu.pipeline_mode<synchronous>, transform_indices = @transform_7, window_bounds = array<i64: 1, 1>}, {pipeline_mode = #tpu.pipeline_mode<synchronous>, transform_indices = @transform_8, window_bounds = array<i64: 64, 1>}]} {
    %eq3A = arith.constant 0 : i32
    %eq3A_0 = arith.cmpi eq, %arg0, %eq3A : i32
    %convert_element_type3A = arith.extui %eq3A_0 : i1 to i32
    %cond3A = arith.constant 0 : i32
    %cond3A_1 = arith.cmpi ne, %convert_element_type3A, %cond3A : i32
    scf.if %cond3A_1 {
      %broadcast_in_dim3A_52 = arith.constant 0.000000e+00 : f32
      %broadcast_in_dim3A_53 = vector.broadcast %broadcast_in_dim3A_52 : f32 to vector<64x128xf32>
      %swap3A_54 = arith.constant 0 : index
      %swap3A_55 = arith.constant 0 : index
      %swap3A_56 = vector.load %arg10[%swap3A_54, %swap3A_55] : memref<64x128xf32, #tpu.memory_space<vmem>>, vector<64x128xf32>
      tpu.vector_store %arg10[%swap3A_54, %swap3A_55], %broadcast_in_dim3A_53 {strides = array<i32>} : memref<64x128xf32, #tpu.memory_space<vmem>>, vector<64x128xf32>,
      %broadcast_in_dim3A_57 = arith.constant 0.000000e+00 : f32
      %broadcast_in_dim3A_58 = vector.broadcast %broadcast_in_dim3A_57 : f32 to vector<64x1xf32>
      %swap3A_59 = arith.constant 0 : index
      %swap3A_60 = arith.constant 0 : index
      %swap3A_61 = vector.load %arg11[%swap3A_59, %swap3A_60] : memref<64x1xf32, #tpu.memory_space<vmem>>, vector<64x1xf32>
      tpu.vector_store %arg11[%swap3A_59, %swap3A_60], %broadcast_in_dim3A_58 {strides = array<i32>} : memref<64x1xf32, #tpu.memory_space<vmem>>, vector<64x1xf32>,
    } else {
    }
    %get3A = arith.constant 0 : index
    %get3A_2 = arith.constant 0 : index
    %get3A_3 = vector.load %arg4[%get3A, %get3A_2] : memref<512x1xf32, #tpu.memory_space<vmem>>, vector<512x1xf32>
    %get3A_4 = arith.constant 0 : index
    %get3A_5 = arith.constant 0 : index
    %get3A_6 = vector.load %arg1[%get3A_4, %get3A_5] : memref<512x128xf32, #tpu.memory_space<vmem>>, vector<512x128xf32>
    %get3A_7 = arith.constant 0 : index
    %get3A_8 = arith.constant 0 : index
    %get3A_9 = vector.load %arg2[%get3A_7, %get3A_8] : memref<512x128xf32, #tpu.memory_space<vmem>>, vector<512x128xf32>
    %add3A = arith.addf %get3A_6, %get3A_9 : vector<512x128xf32>
    %mul3A = vector.broadcast %get3A_3 : vector<512x1xf32> to vector<512x128xf32>
    %mul3A_10 = arith.mulf %add3A, %mul3A : vector<512x128xf32>
    %get3A_11 = arith.constant 0 : index
    %get3A_12 = arith.constant 0 : index
    %get3A_13 = vector.load %arg3[%get3A_11, %get3A_12] : memref<512x128xf32, #tpu.memory_space<vmem>>, vector<512x128xf32>
    %mul3A_14 = arith.mulf %get3A_3, %get3A_3 : vector<512x1xf32>
    %mul3A_15 = vector.broadcast %mul3A_14 : vector<512x1xf32> to vector<512x128xf32>
    %mul3A_16 = arith.mulf %get3A_13, %mul3A_15 : vector<512x128xf32>
    %add3A_17 = arith.addf %mul3A_10, %mul3A_16 : vector<512x128xf32>
    %get3A_18 = arith.constant 0 : index
    %get3A_19 = arith.constant 0 : index
    %get3A_20 = vector.load %arg5[%get3A_18, %get3A_19] : memref<1x128xf32, #tpu.memory_space<vmem>>, vector<1x128xf32>
    %add3A_21 = vector.broadcast %get3A_20 : vector<1x128xf32> to vector<512x128xf32>
    %add3A_22 = arith.addf %add3A_17, %add3A_21 : vector<512x128xf32>
    %iota3A = tpu.iota {dimensions = array<i32: 1>} : vector<512x64xi32>
    %get3A_23 = arith.constant 0 : index
    %get3A_24 = arith.constant 0 : index
    %get3A_25 = vector.load %arg6[%get3A_23, %get3A_24] : memref<512x1xi32, #tpu.memory_space<vmem>>, vector<512x1xi32>
    %eq3A_26 = vector.broadcast %get3A_25 : vector<512x1xi32> to vector<512x64xi32>
    %eq3A_27 = arith.cmpi eq, %eq3A_26, %iota3A : vector<512x64xi32>
    %convert_element_type3A_28 = arith.extui %eq3A_27 : vector<512x64xi1> to vector<512x64xi32>
    %convert_element_type3A_29 = arith.sitofp %convert_element_type3A_28 : vector<512x64xi32> to vector<512x64xf32>
    %get3A_30 = arith.constant 0 : index
    %get3A_31 = arith.constant 0 : index
    %get3A_32 = vector.load %arg10[%get3A_30, %get3A_31] : memref<64x128xf32, #tpu.memory_space<vmem>>, vector<64x128xf32>
    %dot_general3A = arith.constant dense<0.000000e+00> : vector<64x128xf32>
    %dot_general3A_33 = tpu.matmul %convert_element_type3A_29, %add3A_22, %dot_general3A {dimension_numbers = #tpu.dot_dimension_numbers<[0], [0], [1], [1], [0, 1, 1, 1], [], []>, transpose_lhs_hint = false} : vector<512x64xf32>, vector<512x128xf32>, vector<64x128xf32> -> vector<64x128xf32>
    %add3A_34 = arith.addf %get3A_32, %dot_general3A_33 : vector<64x128xf32>
    %swap3A = arith.constant 0 : index
    %swap3A_35 = arith.constant 0 : index
    %swap3A_36 = vector.load %arg10[%swap3A, %swap3A_35] : memref<64x128xf32, #tpu.memory_space<vmem>>, vector<64x128xf32>
    tpu.vector_store %arg10[%swap3A, %swap3A_35], %add3A_34 {strides = array<i32>} : memref<64x128xf32, #tpu.memory_space<vmem>>, vector<64x128xf32>,
    %get3A_37 = arith.constant 0 : index
    %get3A_38 = arith.constant 0 : index
    %get3A_39 = vector.load %arg11[%get3A_37, %get3A_38] : memref<64x1xf32, #tpu.memory_space<vmem>>, vector<64x1xf32>
    %broadcast_in_dim3A = arith.constant 1.000000e+00 : f32
    %broadcast_in_dim3A_40 = vector.broadcast %broadcast_in_dim3A : f32 to vector<512x1xf32>
    %dot_general3A_41 = arith.constant dense<0.000000e+00> : vector<64x1xf32>
    %dot_general3A_42 = tpu.matmul %convert_element_type3A_29, %broadcast_in_dim3A_40, %dot_general3A_41 {dimension_numbers = #tpu.dot_dimension_numbers<[0], [0], [1], [1], [0, 1, 1, 1], [], []>, transpose_lhs_hint = false} : vector<512x64xf32>, vector<512x1xf32>, vector<64x1xf32> -> vector<64x1xf32>
    %add3A_43 = arith.addf %get3A_39, %dot_general3A_42 : vector<64x1xf32>
    %swap3A_44 = arith.constant 0 : index
    %swap3A_45 = arith.constant 0 : index
    %swap3A_46 = vector.load %arg11[%swap3A_44, %swap3A_45] : memref<64x1xf32, #tpu.memory_space<vmem>>, vector<64x1xf32>
    tpu.vector_store %arg11[%swap3A_44, %swap3A_45], %add3A_43 {strides = array<i32>} : memref<64x1xf32, #tpu.memory_space<vmem>>, vector<64x1xf32>,
    %eq3A_47 = arith.constant 19 : i32
    %eq3A_48 = arith.cmpi eq, %arg0, %eq3A_47 : i32
    %convert_element_type3A_49 = arith.extui %eq3A_48 : i1 to i32
    %cond3A_50 = arith.constant 0 : i32
    %cond3A_51 = arith.cmpi ne, %convert_element_type3A_49, %cond3A_50 : i32
    scf.if %cond3A_51 {
      %get3A_52 = arith.constant 0 : index
      %get3A_53 = arith.constant 0 : index
      %get3A_54 = vector.load %arg10[%get3A_52, %get3A_53] : memref<64x128xf32, #tpu.memory_space<vmem>>, vector<64x128xf32>
      %get3A_55 = arith.constant 0 : index
      %get3A_56 = arith.constant 0 : index
      %get3A_57 = vector.load %arg11[%get3A_55, %get3A_56] : memref<64x1xf32, #tpu.memory_space<vmem>>, vector<64x1xf32>
      %max3A = arith.constant 1.000000e+00 : f32
      %max3A_58 = vector.broadcast %max3A : f32 to vector<64x1xf32>
      %max3A_59 = arith.maximumf %get3A_57, %max3A_58 : vector<64x1xf32>
      %div3A = vector.broadcast %max3A_59 : vector<64x1xf32> to vector<64x128xf32>
      %div3A_60 = arith.divf %get3A_54, %div3A : vector<64x128xf32>
      %get3A_61 = arith.constant 0 : index
      %get3A_62 = arith.constant 0 : index
      %get3A_63 = vector.load %arg7[%get3A_61, %get3A_62] : memref<128x1xf32, #tpu.memory_space<vmem>>, vector<128x1xf32>
      %dot_general3A_64 = arith.constant dense<0.000000e+00> : vector<64x1xf32>
      %dot_general3A_65 = tpu.matmul %div3A_60, %get3A_63, %dot_general3A_64 {dimension_numbers = #tpu.dot_dimension_numbers<[1], [0], [0], [1], [0, 0, 1, 1], [], []>, transpose_lhs_hint = false} : vector<64x128xf32>, vector<128x1xf32>, vector<64x1xf32> -> vector<64x1xf32>
      %get3A_66 = arith.constant 0 : index
      %get3A_67 = arith.constant 0 : index
      %get3A_68 = vector.load %arg8[%get3A_66, %get3A_67] : memref<1x1xf32, #tpu.memory_space<vmem>>, vector<1x1xf32>
      %add3A_69 = vector.broadcast %get3A_68 : vector<1x1xf32> to vector<64x1xf32>
      %add3A_70 = arith.addf %dot_general3A_65, %add3A_69 : vector<64x1xf32>
      %swap3A_71 = arith.constant 0 : index
      %swap3A_72 = arith.constant 0 : index
      %swap3A_73 = vector.load %arg9[%swap3A_71, %swap3A_72] : memref<64x1xf32, #tpu.memory_space<vmem>>, vector<64x1xf32>
      tpu.vector_store %arg9[%swap3A_71, %swap3A_72], %add3A_70 {strides = array<i32>} : memref<64x1xf32, #tpu.memory_space<vmem>>, vector<64x1xf32>,
    } else {
    }
    return
  }
  func.func @transform_0(%arg0: i32) -> (i32, i32) {
    %c0_i32 = arith.constant 0 : i32
    %c0_i32_0 = arith.constant 0 : i32
    return %arg0, %c0_i32 : i32, i32
  }
  func.func @transform_1(%arg0: i32) -> (i32, i32) {
    %add3A = arith.constant 20 : i32
    %add3A_0 = arith.addi %arg0, %add3A : i32
    %c0_i32 = arith.constant 0 : i32
    %c0_i32_1 = arith.constant 0 : i32
    return %add3A_0, %c0_i32 : i32, i32
  }
  func.func @transform_2(%arg0: i32) -> (i32, i32) {
    %c0_i32 = arith.constant 0 : i32
    %c0_i32_0 = arith.constant 0 : i32
    return %arg0, %c0_i32 : i32, i32
  }
  func.func @transform_3(%arg0: i32) -> (i32, i32) {
    %c0_i32 = arith.constant 0 : i32
    %c0_i32_0 = arith.constant 0 : i32
    return %arg0, %c0_i32 : i32, i32
  }
  func.func @transform_4(%arg0: i32) -> (i32, i32) {
    %c0_i32 = arith.constant 0 : i32
    %c0_i32_0 = arith.constant 0 : i32
    %c0_i32_1 = arith.constant 0 : i32
    return %c0_i32, %c0_i32_0 : i32, i32
  }
  func.func @transform_5(%arg0: i32) -> (i32, i32) {
    %c0_i32 = arith.constant 0 : i32
    %c0_i32_0 = arith.constant 0 : i32
    return %arg0, %c0_i32 : i32, i32
  }
  func.func @transform_6(%arg0: i32) -> (i32, i32) {
    %c0_i32 = arith.constant 0 : i32
    %c0_i32_0 = arith.constant 0 : i32
    %c0_i32_1 = arith.constant 0 : i32
    return %c0_i32, %c0_i32_0 : i32, i32
  }
  func.func @transform_7(%arg0: i32) -> (i32, i32) {
    %c0_i32 = arith.constant 0 : i32
    %c0_i32_0 = arith.constant 0 : i32
    %c0_i32_1 = arith.constant 0 : i32
    return %c0_i32, %c0_i32_0 : i32, i32
  }
  func.func @transform_8(%arg0: i32) -> (i32, i32) {
    %c0_i32 = arith.constant 0 : i32
    %c0_i32_0 = arith.constant 0 : i32
    %c0_i32_1 = arith.constant 0 : i32
    return %c0_i32, %c0_i32_0 : i32, i32
  }
}

</mosaic_0001>

<sc_bundles>
// kernel: kernel.10.cloned.1.call-start
scs
__scs_entry_jumppad:
0x0: {  	(pc) =	sbr.rel $0x88, $3  }
0x1: {  	(tag) =	ssettag $0x0;
	lr =	simm.s32 $0x1  }
0x2: {  	[smem:$0x3F96] =	sst lr;
	_ =	strace $0xD0000000  }
0x3: {  	_ = 	snop  }
0x4: {  	_ = 	snop  }
0x5: {  	_ = 	snop  }
0x6: {  	_ = 	snop  }
0x7: {  	_ = 	snop  }
__scs_overlays_trampoline_lowered:
0x8: {  	[smem:$0x3FA5] =	sst s0  }
0x9: {  	[smem:$0x3FA6] =	sst s1  }
0xa: {  	[smem:$0x3FA7] =	sst s2  }
0xb: {  	[smem:$0x3FA8] =	sst s3  }
0xc: {  	[smem:$0x3FA9] =	sst s4  }
0xd: {  	[smem:$0x3FAA] =	sst s5  }
0xe: {  	[smem:$0x3FAB] =	sst s6  }
0xf: {  	[smem:$0x3FAC] =	sst s7  }
0x10: {  	[smem:$0x3FAD] =	sst s8  }
0x11: {  	[smem:$0x3FAE] =	sst s9;
	s0 =	simm.s32 @!p0 $0x0  }
0x12: {  	s1 =	sld [smem:$0x3F94];
	s0 =	simm.s32 @p0 $0x1  }
0x13: {  	[smem:$0x3FAF] =	sst s0;
	s0 =	simm.s32 @!p1 $0x0  }
0x14: {  	s2 =	sld [smem:$0x3F93];
	s0 =	simm.s32 @p1 $0x1  }
0x15: {  	[smem:$0x3FB0] =	sst s0;
	s0 =	simm.s32 @!p2 $0x0  }
0x16: {  	s3 =	sld [smem:$0x3FDB];
	s0 =	simm.s32 @p2 $0x1  }
0x17: {  	s4 =	simm.s32 $0x1BF5;
	[smem:$0x3FB2] =	sst s0  }
0x18: {  	s0 =	sld [smem:$0x3F95];
	_ =	swait.ge [sflag:s4], $0x0  }
0x19: {  	s7 =	sld [smem:$0x3F96]  }
0x1a: {  	s8 =	sadd.s32 $0xFFFFE003, lr  }
0x1b: {  	s9 =	sadd.s32 $0xFFFFFEF7, lr;
	s5 =	simm.s32 $0xFFFFFFFF;
	p2 =	slt.u32 s8, $0xFFFFF086  }
0x1c: {  	p1 =	slt.u32 s9, $0xF7A;
	s5 =	simm.s32 @!p2 $0x0  }
0x1d: {  	s5 =	simm.s32 @p1 $0x1;
	p0 =	seq.s32 s7, s2  }
0x1e: {  	s7 =	smul.u32 @!p0 $0xF7A, s2;
	p2 =	seq.s32 @!p0 s5, $0x0  }
0x1f: {  	s9 =	smul.u32 $0xF7A, s1;
	s8 =	simm.s32 @!p0 $0x1BF5;
	p2 =	por !p2, p0  }
0x20: {  	[sflag:s8] =	ssyncset.s32 @!p0 $0xFFFFF086;
	s6 =	sadd.s32 @!p0 s3, s7;
	s7 =	simm.s32 @!p0 $0x108  }
0x21: {  	s3 =	sadd.s32 s3, s9;
	s6 =	sadd.s32 @!p0 $0x88, s6;
	s7 =	simm.s32 @p2 $0x1082  }
0x22: {  	[simem:s7], [sflag:s8] =	dma.local @!p0 [hbm:s6], $0xF7A  }
0x23: {  	s9 =	sor.u32 $0xD0000000, s2;
	s6 =	simm.s32 $0x108;
	_ =	swait.ge @!p0 [sflag:s8], $0x0  }
0x24: {  	s3 =	sadd.s32 $0x88, s3;
	s6 =	simm.s32 @!p1 $0x1082;
	[sflag:s4] =	ssyncset.s32 $0xFFFFF086  }
0x25: {  	[simem:s6], [sflag:s4] =	dma.local [hbm:s3], $0xF7A  }
0x26: {  	[smem:$0x3F96] =	sst s1;
	(tag) =	ssettag s2;
	_ =	strace s9  }
0x27: {  	s1 =	sld [smem:$0x3FA6]  }
0x28: {  	s2 =	sld [smem:$0x3FA7]  }
0x29: {  	s4 =	sld [smem:$0x3FA9]  }
0x2a: {  	p0 =	seq.s32 s5, $0x0;
	s5 =	sld [smem:$0x3FAA]  }
0x2b: {  	s6 =	sld [smem:$0x3FAB]  }
0x2c: {  	s7 =	sld [smem:$0x3FAC]  }
0x2d: {  	s3 =	simm.s32 $0x108;
	s8 =	sld [smem:$0x3FAD]  }
0x2e: {  	s3 =	simm.s32 @!p0 $0x1082;
	s9 =	sld [smem:$0x3FAE]  }
0x2f: {  	lr =	sadd.s32 s0, s3;
	s0 =	sld [smem:$0x3FA5]  }
0x30: {  	s3 =	sld [smem:$0x3FA8]  }
0x31: {  	[smem:$0x3FB1] =	sst s10  }
0x32: {  	s10 =	sld [smem:$0x3FAF];
	_ =	sdelay $0x3  }
0x33: {  	p0 =	seq.s32 s10, $0x1;
	s10 =	sld [smem:$0x3FB1];
	_ =	sdelay $0x3  }
0x34: {  	[smem:$0x3FB1] =	sst s10  }
0x35: {  	s10 =	sld [smem:$0x3FB0];
	_ =	sdelay $0x3  }
0x36: {  	p1 =	seq.s32 s10, $0x1;
	s10 =	sld [smem:$0x3FB1];
	_ =	sdelay $0x3  }
0x37: {  	[smem:$0x3FB1] =	sst s10  }
0x38: {  	s10 =	sld [smem:$0x3FB2]  }
0x39: {  	_ = 	snop;
	(pc) =	sbr.ind lr, $3  }
0x3a: {  	_ = 	snop  }
0x3b: {  	_ = 	snop  }
0x3c: {  	p2 =	seq.s32 s10, $0x1;
	s10 =	sld [smem:$0x3FB1]  }
0x3d: {  	_ =	shalt  }
0x3e: {  	_ =	shalt  }
0x3f: {  	_ =	shalt  }
0x40: {  	_ =	shalt  }
0x41: {  	_ =	shalt  }
0x42: {  	_ =	shalt  }
0x43: {  	_ =	shalt  }
0x44: {  	_ =	shalt  }
0x45: {  	_ =	shalt  }
0x46: {  	_ =	shalt  }
0x47: {  	_ =	shalt  }
0x48: {  	_ =	shalt  }
0x49: {  	_ =	shalt  }
0x4a: {  	_ =	shalt  }
0x4b: {  	_ =	shalt  }
0x4c: {  	_ =	shalt  }
0x4d: {  	_ =	shalt  }
0x4e: {  	_ =	shalt  }
0x4f: {  	_ =	shalt  }
0x50: {  	_ =	shalt  }
0x51: {  	_ =	shalt  }
0x52: {  	_ =	shalt  }
0x53: {  	_ =	shalt  }
0x54: {  	_ =	shalt  }
0x55: {  	_ =	shalt  }
0x56: {  	_ =	shalt  }
0x57: {  	_ =	shalt  }
0x58: {  	_ =	shalt  }
0x59: {  	_ =	shalt  }
0x5a: {  	_ =	shalt  }
0x5b: {  	_ =	shalt  }
0x5c: {  	_ =	shalt  }
0x5d: {  	_ =	shalt  }
0x5e: {  	_ =	shalt  }
0x5f: {  	_ =	shalt  }
0x60: {  	_ =	shalt  }
0x61: {  	_ =	shalt  }
0x62: {  	_ =	shalt  }
0x63: {  	_ =	shalt  }
0x64: {  	_ =	shalt  }
0x65: {  	_ =	shalt  }
0x66: {  	_ =	shalt  }
0x67: {  	_ =	shalt  }
0x68: {  	_ =	shalt  }
0x69: {  	_ =	shalt  }
0x6a: {  	_ =	shalt  }
0x6b: {  	_ =	shalt  }
0x6c: {  	_ =	shalt  }
0x6d: {  	_ =	shalt  }
0x6e: {  	_ =	shalt  }
0x6f: {  	_ =	shalt  }
0x70: {  	_ =	shalt  }
0x71: {  	_ =	shalt  }
0x72: {  	_ =	shalt  }
0x73: {  	_ =	shalt  }
0x74: {  	_ =	shalt  }
0x75: {  	_ =	shalt  }
0x76: {  	_ =	shalt  }
0x77: {  	_ =	shalt  }
0x78: {  	_ =	shalt  }
0x79: {  	_ =	shalt  }
0x7a: {  	_ =	shalt  }
0x7b: {  	_ =	shalt  }
0x7c: {  	_ =	shalt  }
0x7d: {  	_ =	shalt  }
0x7e: {  	_ =	shalt  }
0x7f: {  	_ =	shalt  }
0x80: {  	_ =	shalt  }
0x81: {  	_ =	shalt  }
0x82: {  	_ =	shalt  }
0x83: {  	_ =	shalt  }
0x84: {  	_ =	shalt  }
0x85: {  	_ =	shalt  }
0x86: {  	_ =	shalt  }
0x87: {  	_ =	shalt  }
.Lfunc_end0:
.L_simem_size_0:
called_computation_lowered:
.L_overlay_start_0:
0x88: {  	s2 =	sld [smem:$0x3FD9]  }
0x89: {  	s3 =	sld [smem:$0x3FFE];
	_ =	sdelay $0x1  }
0x8a: {  	s1 =	srdreg.scid  }
0x8b: {  	s0 =	sand.u32 $0x1, s1  }
0x8c: {  	s16 =	sshll.u32 s0, $0xA;
	s2 =	sadd.s32 s3, s2  }
0x8d: {  	s2 =	sadd.s32 s2, s16  }
0x8e: {  	[smem:$0x3FBD] =	sst s2  }
0x8f: {  	_ = 	snop  }
0x90: {  	(tm) =	ssettm $0x1  }
0x91: {  	s17 =	sld [smem:$0x3FFB];
	_ =	sdelay $0x3  }
0x92: {  	_ =	strace s17  }
0x93: {  	s2 =	sld [smem:$0x3FFC];
	_ =	sdelay $0x3  }
0x94: {  	_ =	strace s2  }
0x95: {  	s2 =	sld [smem:$0x3FFD];
	_ =	sdelay $0x3  }
0x96: {  	_ =	strace s2  }
0x97: {  	_ =	strace $0x8FFFFFFF  }
0x98: {  	s18 =	sld [smem:$0x3FDB];
	_ =	sdelay $0x1  }
0x99: {  	s19 =	simm.s32 $_scs_section_size  }
0x9a: {  	s4 =	simm.s32 $_size__tile_overlayer_lowered;
	s5 =	simm.s32 $_tile_overlayer_lowered  }
0x9b: {  	s22 =	simm.s32 $0x1BFF;
	s21 =	sshll.u32 s5, $0x1;
	s2 =	sadd.s32 s19, s18  }
0x9c: {  	s6 =	simm.s32 $0x0;
	s20 =	sshll.u32 s4, $0x1;
	s4 =	sadd.s32 s21, s2  }
0x9d: {  	[timem:s6], [sflag:s22] =	dma.local [hbm:s4], s20  }
0x9e: {  	_ =	swait.ge [sflag:s22], s20  }
0x9f: {  	s3 =	ssub.s32 $0x0, s20;
	[sflag:s22] =	ssyncset.done $0x0  }
0xa0: {  	[sflag:s22] =	ssyncadd.s32 s3;
	_ =	sdelay $0x1  }
0xa1: {  	s23 =	simm.s32 $0x1B8B  }
0xa2: {  	_ =	swait.ge [sflag:s23], $0x1  }
0xa3: {  	[sflag:s23] =	ssyncset.done $0x0  }
0xa4: {  	s25 =	simm.s32 $0x1B8E;
	s24 =	sld [smem:$0x3FFE];
	[sflag:s23] =	ssyncadd.s32 $0xFFFFFFFF  }
0xa5: {  	s26 =	simm.s32 $execute0_lowered;
	[smem:$0x3FD2] =	sst s25  }
0xa6: {  	s4 =	sshll.u32 s26, $0x1;
	_ =	strace $0x80000046;
	[dreg:$0x1] =	wrdreg $0xFFFFFFFF  }
0xa7: {  	s28 =	simm.s32 $_size_execute0_lowered;
	s2 =	sadd.s32 s2, s4;
	[dreg:$0x0] =	wrdreg $0x0  }
0xa8: {  	s4 =	sshll.u32 s28, $0x1;
	[dreg:$0x2] =	wrdreg s2  }
0xa9: {  	[dreg:$0x3] =	wrdreg s4  }
0xaa: {  	[dreg:$0x4] =	wrdreg $0xC0  }
0xab: {  	_ =	task [dreg:s6], $0x5FFFF  }
0xac: {  	[dreg:$0x1] =	wrdreg $0xFFFFFFFF  }
0xad: {  	[dreg:$0x0] =	wrdreg $0x60  }
0xae: {  	[dreg:$0x2] =	wrdreg s24  }
0xaf: {  	[dreg:$0x3] =	wrdreg $0x40800  }
0xb0: {  	[dreg:$0x4] =	wrdreg $0x9  }
0xb1: {  	_ =	task.clear_ibuf [dreg:s6], $0x5FFFF;
	_ =	strace $0x90000046  }
0xb2: {  	s29 =	simm.s32 $0x9;
	_ =	strace $0x80000048  }
0xb3: {  	_ =	swait.ge [sflag:s29], $0x1  }
0xb4: {  	[sflag:s29] =	ssyncadd.s32 $0xFFFFFFFF  }
0xb5: {  	_ =	strace $0x90000048  }
0xb6: {  	_ =	sfence  }
0xb7: {  	s30 =	sld [smem:$0x0];
	_ =	sdelay $0x2  }
0xb8: {  	s31 =	sshll.u32 s1, $0xD;
	s1 =	sshrl.u32 s1, $0x2  }
0xb9: {  	s3 =	sand.u32 $0x4000, s31;
	s1 =	sadd.s32 s1, s30  }
0xba: {  	s0 =	sor.u32 s3, s0;
	s1 =	sshll.u32 s1, $0x11  }
0xbb: {  	s0 =	sor.u32 s1, s0  }
0xbc: {  	s0 =	sadd.s32 $0x8F2B, s0  }
0xbd: {  	[sflag:s0] =	ssyncadd.remote.s32 $0x1  }
0xbe: {  	_ =	sfence.sel $0xFFFF  }
0xbf: {  	[dreg:$0x0] =	wrdreg $0xFFFFFFFF;
	(pc) =	sbr.abs _section_cstart, $3  }
0xc0: {  	[dreg:$0x1] =	wrdreg $0xFFFFFFFF  }
0xc1: {  	_ =	task.clear_ibuf [dreg:s6], $0x2FFFF;
	_ =	strace $0x9FFFFFFF  }
0xc2: {  	(tm) =	ssettm $0x7FFFFFFF  }
0xc3: {  	_ =	shalt  }
tec
execute0_lowered:
.L_overlay_start_1:
0x0: {  	(tag) =	ssettag $0x1  }
0x1: {  	s6 =	rddreg [dreg:$0x0]  }
0x2: {  	s1 =	rddreg [dreg:$0x1];
	s2 =	srdreg.scid  }
0x3: {  	s0 =	rddreg [dreg:$0x2];
	s7 =	sand.u32 $0x1, s2  }
0x4: {  	s2 =	stileid.u32;
	s4 =	smul.u32 $0x5000, s7  }
0x5: {  	s3 =	simm.s32 $0x0;
	s13 =	simm.s32 $0x0;
	s8 =	smul.u32 $0x2800, s2  }
0x6: {  	[smem:$0x7FF] =	sst s3;
	s5 =	sadd.s32 $0xCC00, s6;
	s10 =	smul.u32 $0x28000, s7  }
0x7: {  	_ =	strace $0x80000047;
	s11 =	smul.u32 $0x50000, s2;
	s7 =	ssub.s32 $0x2, s7  }
0x8: {  	s28 =	smul.u32 $0x500, s2;
	s31 =	sshll.u32 s2, $0x6;
	s29 =	sshrl.u32 s7, $0x1  }
0x9: {  	s9 =	sadd.s32 s4, s6;
	s4 =	sadd.s32 $0xF400, s6;
	s8 =	sadd.s32 s8, s10  }
0xa: {  	s11 =	sshrl.u32 s11, $0x2;
	s7 =	ssub.s32 s7, s29;
	s10 =	simm.s32 $0x1  }
0xb: {  	s6 =	sadd.s32 s8, s6;
	s12 =	sadd.s32 s11, s1;
	s30 =	sadd.s32 s28, s9  }
0xc: {  	s7 =	smax.u32 s7, $0x1;
	s9 =	simm.s32 $0x80;
	s11 =	sor.u32 $0x1C01, s31  }
0xd: {  	s6 =	sadd.s32 $0xFC00, s6;
	s8 =	sadd.s32 $0x2C00, s30;
	s12 =	sshrl.u32 s12, $0x3  }
.LBB2_1:
0xe: {  	[tilespmem:s9], [sflag:$0x1] =	stream.linear.gather [hbm4b:s4+s3], $0x4000, $0x38;
	[tilespmem:$0x6880] =	vst v63  }
0xf: {  	_ =	swait.ge [sflag:s10], $0x4000  }
0x10: {  	[sflag:s10] =	ssyncset.done $0x0  }
0x11: {  	[sflag:s10] =	ssyncadd.s32 $0xFFFFC000  }
0x12: {  	[spmem:s12], [sflag:s11] =	dma.local [hbm:s5], $0x2800  }
0x13: {  	_ =	swait.ge [sflag:s10], $0x2800  }
0x14: {  	[sflag:s10] =	ssyncset.done $0x0  }
0x15: {  	[sflag:s10] =	ssyncadd.s32 $0xFFFFD800  }
0x16: {  	s14 =	sadd.s32 $0x0, s8;
	[bflag:$0x0] =	sbarrier.arrive $0xFFFF  }
0x17: {  	[tilespmem:s3], [sflag:$0x1] =	stream.linear.gather [hbm4b:s14+s3], $0x80, $0x38;
	[tilespmem:$0x6880] =	vst v63  }
0x18: {  	_ =	swait.ge [sflag:s10], $0x80  }
0x19: {  	[sflag:s10] =	ssyncset.done $0x0  }
0x1a: {  	[sflag:s10] =	ssyncadd.s32 $0xFFFFFF80  }
0x1b: {  	[spmem:s1] =	stream.indirect.scatter.add.f32 [tilespmem:s9], [sflag:$0x1], $0x10, s3, s9, $0xb8;
	[tilespmem:$0x6880] =	vst v63  }
0x1c: {  	_ =	swait.ge [sflag:s10], $0x800  }
0x1d: {  	s15 =	simm.s32 $0x20;
	s14 =	simm.s32 $0x10;
	[sflag:s10] =	ssyncset.done $0x0  }
.LBB2_2:
0x1e: {  	s16 =	sadd.s32 s14, s8  }
0x1f: {  	[sflag:s10] =	ssyncadd.s32 $0xFFFFF800;
	s14 =	smov.u32 s15;
	s17 =	sadd.s32 $0x10, s15  }
0x20: {  	[tilespmem:s3], [sflag:$0x1] =	stream.linear.gather [hbm4b:s16+s3], $0x80, $0x38;
	[tilespmem:$0x6880] =	vst v63  }
0x21: {  	p0 =	sne.s32 s15, $0x4F0;
	_ =	swait.ge [sflag:s10], $0x80  }
.Ltmp0:
0x22: {  	[sflag:s10] =	ssyncset.done $0x0;
	(pc) =	sbr.rel @p0 .LBB2_2-.Ltmp0, $4  }
0x23: {  	[sflag:s10] =	ssyncadd.s32 $0xFFFFFF80  }
0x24: {  	[spmem:s1] =	stream.indirect.scatter.add.f32 [tilespmem:s9], [sflag:$0x1], $0x10, s3, s9, $0xb8;
	[tilespmem:$0x6880] =	vst v63  }
0x25: {  	_ =	swait.ge [sflag:s10], $0x800  }
0x26: {  	s15 =	smov.u32 s17;
	[sflag:s10] =	ssyncset.done $0x0  }
0x27: {  	s14 =	sadd.s32 s14, s8;
	[sflag:s10] =	ssyncadd.s32 $0xFFFFF800  }
0x28: {  	[tilespmem:s3], [sflag:$0x1] =	stream.linear.gather [hbm4b:s14+s3], $0x80, $0x38;
	[tilespmem:$0x6880] =	vst v63  }
0x29: {  	_ =	swait.ge [sflag:s10], $0x80  }
0x2a: {  	[sflag:s10] =	ssyncset.done $0x0  }
0x2b: {  	[sflag:s10] =	ssyncadd.s32 $0xFFFFFF80  }
0x2c: {  	[spmem:s1] =	stream.indirect.scatter.add.f32 [tilespmem:s9], [sflag:$0x1], $0x10, s3, s9, $0xb8;
	[tilespmem:$0x6880] =	vst v63  }
0x2d: {  	_ =	swait.ge [sflag:s10], $0x800  }
0x2e: {  	s13 =	sadd.s32 $0x1, s13;
	[sflag:s10] =	ssyncset.done $0x0  }
0x2f: {  	p0 =	sne.s32 s13, s7;
	[sflag:s10] =	ssyncadd.s32 $0xFFFFF800  }
.Ltmp1:
0x30: {  	[bflag:$0x0] =	sbarrier.arrive $0xFFFF;
	(pc) =	sbr.rel @p0 .LBB2_1-.Ltmp1, $4  }
0x31: {  	[hbm:s6], [sflag:s11] =	dma.local [spmem:s12], $0x2800  }
0x32: {  	_ =	swait.ge [sflag:s10], $0x2800  }
0x33: {  	[sflag:s10] =	ssyncset.done $0x0  }
0x34: {  	[sflag:s10] =	ssyncadd.s32 $0xFFFFD800  }
0x35: {  	_ =	sfence.sel $0x180000  }
0x36: {  	[bflag:$0x0] =	sbarrier.arrive $0xFFFF  }
0x37: {  	p0 =	sne.s32 s2, $0x0;
	_ =	strace $0x90000047  }
0x38: {  	s0 =	sadd.s32 @!p0 $0x100000, s0;
	[bflag:$0x2] =	sbarrier.arrive $0xFFFF  }
0x39: {  	[sflag:s0] =	ssyncadd.tile.s32 @!p0 $0x1;
	_ =	shalt  }
.Lfunc_end2:
_tile_overlayer_lowered:
.L_overlay_start_2:
0x3a: {  	(tag) =	ssettag $0x2  }
0x3b: {  	s0 =	rddreg [dreg:$0x0];
	s2 =	stileid.u32  }
0x3c: {  	s1 =	rddreg [dreg:$0x1];
	p0 =	sne.s32 s2, $0x0  }
0x3d: {  	s3 =	rddreg [dreg:$0x2];
	[bflag:$0x3] =	sbarrier.arrive $0xFFFF;
	s2 =	simm.s32 @!p0 $0x1C01  }
0x3e: {  	[timem:s3], [sflag:s2] =	dma.local @!p0 [hbm:s0], s1  }
0x3f: {  	s0 =	simm.s32 @!p0 $0x1  }
0x40: {  	_ =	swait.ge @!p0 [sflag:s0], s1  }
0x41: {  	s1 =	ssub.s32 @!p0 $0x0, s1;
	[sflag:s0] =	ssyncset.done @!p0 $0x0  }
0x42: {  	[sflag:s0] =	ssyncadd.s32 @!p0 s1  }
0x43: {  	[bflag:$0x3] =	sbarrier.arrive $0xFFFF  }
0x44: {  	_ =	shalt  }

// kernel: kernel.13.cloned.1.call-start
scs
__scs_entry_jumppad:
0x0: {  	(pc) =	sbr.rel $0x88, $3  }
0x1: {  	(tag) =	ssettag $0x0;
	lr =	simm.s32 $0x1  }
0x2: {  	[smem:$0x3F96] =	sst lr;
	_ =	strace $0xD0000000  }
0x3: {  	_ = 	snop  }
0x4: {  	_ = 	snop  }
0x5: {  	_ = 	snop  }
0x6: {  	_ = 	snop  }
0x7: {  	_ = 	snop  }
__scs_overlays_trampoline_lowered:
0x8: {  	[smem:$0x3FA5] =	sst s0  }
0x9: {  	[smem:$0x3FA6] =	sst s1  }
0xa: {  	[smem:$0x3FA7] =	sst s2  }
0xb: {  	[smem:$0x3FA8] =	sst s3  }
0xc: {  	[smem:$0x3FA9] =	sst s4  }
0xd: {  	[smem:$0x3FAA] =	sst s5  }
0xe: {  	[smem:$0x3FAB] =	sst s6  }
0xf: {  	[smem:$0x3FAC] =	sst s7  }
0x10: {  	[smem:$0x3FAD] =	sst s8  }
0x11: {  	[smem:$0x3FAE] =	sst s9;
	s0 =	simm.s32 @!p0 $0x0  }
0x12: {  	s1 =	sld [smem:$0x3F94];
	s0 =	simm.s32 @p0 $0x1  }
0x13: {  	[smem:$0x3FAF] =	sst s0;
	s0 =	simm.s32 @!p1 $0x0  }
0x14: {  	s2 =	sld [smem:$0x3F93];
	s0 =	simm.s32 @p1 $0x1  }
0x15: {  	[smem:$0x3FB0] =	sst s0;
	s0 =	simm.s32 @!p2 $0x0  }
0x16: {  	s3 =	sld [smem:$0x3FDB];
	s0 =	simm.s32 @p2 $0x1  }
0x17: {  	s4 =	simm.s32 $0x1BF5;
	[smem:$0x3FB2] =	sst s0  }
0x18: {  	s0 =	sld [smem:$0x3F95];
	_ =	swait.ge [sflag:s4], $0x0  }
0x19: {  	s7 =	sld [smem:$0x3F96]  }
0x1a: {  	s8 =	sadd.s32 $0xFFFFE003, lr  }
0x1b: {  	s9 =	sadd.s32 $0xFFFFFEF7, lr;
	s5 =	simm.s32 $0xFFFFFFFF;
	p2 =	slt.u32 s8, $0xFFFFF086  }
0x1c: {  	p1 =	slt.u32 s9, $0xF7A;
	s5 =	simm.s32 @!p2 $0x0  }
0x1d: {  	s5 =	simm.s32 @p1 $0x1;
	p0 =	seq.s32 s7, s2  }
0x1e: {  	s7 =	smul.u32 @!p0 $0xF7A, s2;
	p2 =	seq.s32 @!p0 s5, $0x0  }
0x1f: {  	s9 =	smul.u32 $0xF7A, s1;
	s8 =	simm.s32 @!p0 $0x1BF5;
	p2 =	por !p2, p0  }
0x20: {  	[sflag:s8] =	ssyncset.s32 @!p0 $0xFFFFF086;
	s6 =	sadd.s32 @!p0 s3, s7;
	s7 =	simm.s32 @!p0 $0x108  }
0x21: {  	s3 =	sadd.s32 s3, s9;
	s6 =	sadd.s32 @!p0 $0x88, s6;
	s7 =	simm.s32 @p2 $0x1082  }
0x22: {  	[simem:s7], [sflag:s8] =	dma.local @!p0 [hbm:s6], $0xF7A  }
0x23: {  	s9 =	sor.u32 $0xD0000000, s2;
	s6 =	simm.s32 $0x108;
	_ =	swait.ge @!p0 [sflag:s8], $0x0  }
0x24: {  	s3 =	sadd.s32 $0x88, s3;
	s6 =	simm.s32 @!p1 $0x1082;
	[sflag:s4] =	ssyncset.s32 $0xFFFFF086  }
0x25: {  	[simem:s6], [sflag:s4] =	dma.local [hbm:s3], $0xF7A  }
0x26: {  	[smem:$0x3F96] =	sst s1;
	(tag) =	ssettag s2;
	_ =	strace s9  }
0x27: {  	s1 =	sld [smem:$0x3FA6]  }
0x28: {  	s2 =	sld [smem:$0x3FA7]  }
0x29: {  	s4 =	sld [smem:$0x3FA9]  }
0x2a: {  	p0 =	seq.s32 s5, $0x0;
	s5 =	sld [smem:$0x3FAA]  }
0x2b: {  	s6 =	sld [smem:$0x3FAB]  }
0x2c: {  	s7 =	sld [smem:$0x3FAC]  }
0x2d: {  	s3 =	simm.s32 $0x108;
	s8 =	sld [smem:$0x3FAD]  }
0x2e: {  	s3 =	simm.s32 @!p0 $0x1082;
	s9 =	sld [smem:$0x3FAE]  }
0x2f: {  	lr =	sadd.s32 s0, s3;
	s0 =	sld [smem:$0x3FA5]  }
0x30: {  	s3 =	sld [smem:$0x3FA8]  }
0x31: {  	[smem:$0x3FB1] =	sst s10  }
0x32: {  	s10 =	sld [smem:$0x3FAF];
	_ =	sdelay $0x3  }
0x33: {  	p0 =	seq.s32 s10, $0x1;
	s10 =	sld [smem:$0x3FB1];
	_ =	sdelay $0x3  }
0x34: {  	[smem:$0x3FB1] =	sst s10  }
0x35: {  	s10 =	sld [smem:$0x3FB0];
	_ =	sdelay $0x3  }
0x36: {  	p1 =	seq.s32 s10, $0x1;
	s10 =	sld [smem:$0x3FB1];
	_ =	sdelay $0x3  }
0x37: {  	[smem:$0x3FB1] =	sst s10  }
0x38: {  	s10 =	sld [smem:$0x3FB2]  }
0x39: {  	_ = 	snop;
	(pc) =	sbr.ind lr, $3  }
0x3a: {  	_ = 	snop  }
0x3b: {  	_ = 	snop  }
0x3c: {  	p2 =	seq.s32 s10, $0x1;
	s10 =	sld [smem:$0x3FB1]  }
0x3d: {  	_ =	shalt  }
0x3e: {  	_ =	shalt  }
0x3f: {  	_ =	shalt  }
0x40: {  	_ =	shalt  }
0x41: {  	_ =	shalt  }
0x42: {  	_ =	shalt  }
0x43: {  	_ =	shalt  }
0x44: {  	_ =	shalt  }
0x45: {  	_ =	shalt  }
0x46: {  	_ =	shalt  }
0x47: {  	_ =	shalt  }
0x48: {  	_ =	shalt  }
0x49: {  	_ =	shalt  }
0x4a: {  	_ =	shalt  }
0x4b: {  	_ =	shalt  }
0x4c: {  	_ =	shalt  }
0x4d: {  	_ =	shalt  }
0x4e: {  	_ =	shalt  }
0x4f: {  	_ =	shalt  }
0x50: {  	_ =	shalt  }
0x51: {  	_ =	shalt  }
0x52: {  	_ =	shalt  }
0x53: {  	_ =	shalt  }
0x54: {  	_ =	shalt  }
0x55: {  	_ =	shalt  }
0x56: {  	_ =	shalt  }
0x57: {  	_ =	shalt  }
0x58: {  	_ =	shalt  }
0x59: {  	_ =	shalt  }
0x5a: {  	_ =	shalt  }
0x5b: {  	_ =	shalt  }
0x5c: {  	_ =	shalt  }
0x5d: {  	_ =	shalt  }
0x5e: {  	_ =	shalt  }
0x5f: {  	_ =	shalt  }
0x60: {  	_ =	shalt  }
0x61: {  	_ =	shalt  }
0x62: {  	_ =	shalt  }
0x63: {  	_ =	shalt  }
0x64: {  	_ =	shalt  }
0x65: {  	_ =	shalt  }
0x66: {  	_ =	shalt  }
0x67: {  	_ =	shalt  }
0x68: {  	_ =	shalt  }
0x69: {  	_ =	shalt  }
0x6a: {  	_ =	shalt  }
0x6b: {  	_ =	shalt  }
0x6c: {  	_ =	shalt  }
0x6d: {  	_ =	shalt  }
0x6e: {  	_ =	shalt  }
0x6f: {  	_ =	shalt  }
0x70: {  	_ =	shalt  }
0x71: {  	_ =	shalt  }
0x72: {  	_ =	shalt  }
0x73: {  	_ =	shalt  }
0x74: {  	_ =	shalt  }
0x75: {  	_ =	shalt  }
0x76: {  	_ =	shalt  }
0x77: {  	_ =	shalt  }
0x78: {  	_ =	shalt  }
0x79: {  	_ =	shalt  }
0x7a: {  	_ =	shalt  }
0x7b: {  	_ =	shalt  }
0x7c: {  	_ =	shalt  }
0x7d: {  	_ =	shalt  }
0x7e: {  	_ =	shalt  }
0x7f: {  	_ =	shalt  }
0x80: {  	_ =	shalt  }
0x81: {  	_ =	shalt  }
0x82: {  	_ =	shalt  }
0x83: {  	_ =	shalt  }
0x84: {  	_ =	shalt  }
0x85: {  	_ =	shalt  }
0x86: {  	_ =	shalt  }
0x87: {  	_ =	shalt  }
.Lfunc_end0:
.L_simem_size_0:
called_computation.1_lowered:
.L_overlay_start_0:
0x88: {  	s2 =	sld [smem:$0x3FD9]  }
0x89: {  	s3 =	sld [smem:$0x3FFE];
	_ =	sdelay $0x1  }
0x8a: {  	s1 =	srdreg.scid  }
0x8b: {  	s0 =	sand.u32 $0x1, s1  }
0x8c: {  	s16 =	sshll.u32 s0, $0xA;
	s2 =	sadd.s32 s3, s2  }
0x8d: {  	s2 =	sadd.s32 s2, s16  }
0x8e: {  	[smem:$0x3FBD] =	sst s2  }
0x8f: {  	_ = 	snop  }
0x90: {  	(tm) =	ssettm $0x1  }
0x91: {  	s17 =	sld [smem:$0x3FFB];
	_ =	sdelay $0x3  }
0x92: {  	_ =	strace s17  }
0x93: {  	s2 =	sld [smem:$0x3FFC];
	_ =	sdelay $0x3  }
0x94: {  	_ =	strace s2  }
0x95: {  	s2 =	sld [smem:$0x3FFD];
	_ =	sdelay $0x3  }
0x96: {  	_ =	strace s2  }
0x97: {  	_ =	strace $0x8FFFFFFF  }
0x98: {  	s18 =	sld [smem:$0x3FDB];
	_ =	sdelay $0x1  }
0x99: {  	s19 =	simm.s32 $_scs_section_size  }
0x9a: {  	s4 =	simm.s32 $_size__tile_overlayer_lowered;
	s5 =	simm.s32 $_tile_overlayer_lowered  }
0x9b: {  	s22 =	simm.s32 $0x1BFF;
	s21 =	sshll.u32 s5, $0x1;
	s2 =	sadd.s32 s19, s18  }
0x9c: {  	s6 =	simm.s32 $0x0;
	s20 =	sshll.u32 s4, $0x1;
	s4 =	sadd.s32 s21, s2  }
0x9d: {  	[timem:s6], [sflag:s22] =	dma.local [hbm:s4], s20  }
0x9e: {  	_ =	swait.ge [sflag:s22], s20  }
0x9f: {  	s3 =	ssub.s32 $0x0, s20;
	[sflag:s22] =	ssyncset.done $0x0  }
0xa0: {  	[sflag:s22] =	ssyncadd.s32 s3;
	_ =	sdelay $0x1  }
0xa1: {  	s23 =	simm.s32 $0x1B8B  }
0xa2: {  	_ =	swait.ge [sflag:s23], $0x1  }
0xa3: {  	[sflag:s23] =	ssyncset.done $0x0  }
0xa4: {  	s25 =	simm.s32 $0x1B8E;
	s24 =	sld [smem:$0x3FFE];
	[sflag:s23] =	ssyncadd.s32 $0xFFFFFFFF  }
0xa5: {  	s26 =	simm.s32 $execute0_lowered;
	[smem:$0x3FD2] =	sst s25  }
0xa6: {  	s4 =	sshll.u32 s26, $0x1;
	_ =	strace $0x80000049;
	[dreg:$0x1] =	wrdreg $0xFFFFFFFF  }
0xa7: {  	s28 =	simm.s32 $_size_execute0_lowered;
	s2 =	sadd.s32 s2, s4;
	[dreg:$0x0] =	wrdreg $0x0  }
0xa8: {  	s4 =	sshll.u32 s28, $0x1;
	[dreg:$0x2] =	wrdreg s2  }
0xa9: {  	[dreg:$0x3] =	wrdreg s4  }
0xaa: {  	[dreg:$0x4] =	wrdreg $0xC0  }
0xab: {  	_ =	task [dreg:s6], $0x5FFFF  }
0xac: {  	[dreg:$0x1] =	wrdreg $0xFFFFFFFF  }
0xad: {  	[dreg:$0x0] =	wrdreg $0x60  }
0xae: {  	[dreg:$0x2] =	wrdreg s24  }
0xaf: {  	[dreg:$0x3] =	wrdreg $0x41000  }
0xb0: {  	[dreg:$0x4] =	wrdreg $0x9  }
0xb1: {  	_ =	task.clear_ibuf [dreg:s6], $0x5FFFF;
	_ =	strace $0x90000049  }
0xb2: {  	s29 =	simm.s32 $0x9;
	_ =	strace $0x8000004B  }
0xb3: {  	_ =	swait.ge [sflag:s29], $0x1  }
0xb4: {  	[sflag:s29] =	ssyncadd.s32 $0xFFFFFFFF  }
0xb5: {  	_ =	strace $0x9000004B  }
0xb6: {  	_ =	sfence  }
0xb7: {  	s30 =	sld [smem:$0x0];
	_ =	sdelay $0x2  }
0xb8: {  	s31 =	sshll.u32 s1, $0xD;
	s1 =	sshrl.u32 s1, $0x2  }
0xb9: {  	s3 =	sand.u32 $0x4000, s31;
	s1 =	sadd.s32 s1, s30  }
0xba: {  	s0 =	sor.u32 s3, s0;
	s1 =	sshll.u32 s1, $0x11  }
0xbb: {  	s0 =	sor.u32 s1, s0  }
0xbc: {  	s0 =	sadd.s32 $0x8F2B, s0  }
0xbd: {  	[sflag:s0] =	ssyncadd.remote.s32 $0x1  }
0xbe: {  	_ =	sfence.sel $0xFFFF  }
0xbf: {  	[dreg:$0x0] =	wrdreg $0xFFFFFFFF;
	(pc) =	sbr.abs _section_cstart, $3  }
0xc0: {  	[dreg:$0x1] =	wrdreg $0xFFFFFFFF  }
0xc1: {  	_ =	task.clear_ibuf [dreg:s6], $0x2FFFF;
	_ =	strace $0x9FFFFFFF  }
0xc2: {  	(tm) =	ssettm $0x7FFFFFFF  }
0xc3: {  	_ =	shalt  }
tec
execute0_lowered:
.L_overlay_start_1:
0x0: {  	(tag) =	ssettag $0x1  }
0x1: {  	s6 =	rddreg [dreg:$0x0];
	s0 =	srdreg.scid  }
0x2: {  	s2 =	rddreg [dreg:$0x1];
	s1 =	stileid.u32  }
0x3: {  	s3 =	simm.s32 $0x0;
	s14 =	simm.s32 $0x100;
	s5 =	smul.u32 $0x2800, s1  }
0x4: {  	s15 =	simm.s32 $0x1;
	s16 =	simm.s32 $0x0;
	s10 =	smul.u32 $0x50000, s1  }
0x5: {  	s7 =	sand.u32 $0x1, s0;
	s0 =	rddreg [dreg:$0x2];
	s11 =	smul.u32 $0x500, s1  }
0x6: {  	[smem:$0x7FF] =	sst s3;
	s30 =	sshll.u32 s1, $0x6;
	s4 =	smul.u32 $0x5000, s7  }
0x7: {  	s8 =	smul.u32 $0x28000, s7;
	_ =	strace $0x8000004A;
	s29 =	ssub.s32 $0x2, s7  }
0x8: {  	s7 =	sshrl.u32 s29, $0x1;
	s10 =	sshrl.u32 s10, $0x2;
	s9 =	sadd.s32 s4, s6  }
0x9: {  	s4 =	sadd.s32 $0xCC00, s6;
	s8 =	sadd.s32 s5, s8;
	s5 =	sadd.s32 $0x34C00, s6  }
0xa: {  	s12 =	ssub.s32 s29, s7;
	s13 =	sadd.s32 s10, s2;
	s8 =	sadd.s32 s8, s6  }
0xb: {  	s6 =	sor.u32 $0x1C02, s30;
	s31 =	sadd.s32 s11, s9;
	s11 =	sshrl.u32 s13, $0x3  }
0xc: {  	s13 =	simm.s32 $0x80;
	s7 =	sadd.s32 $0x69C00, s8;
	s8 =	smax.u32 s12, $0x1  }
0xd: {  	s9 =	sadd.s32 $0x2C00, s31;
	s10 =	sadd.s32 $0x5FC00, s31;
	s12 =	simm.s32 $0x2  }
.LBB2_1:
0xe: {  	[spmem:s11], [sflag:s6] =	dma.local [hbm:s5], $0x2800  }
0xf: {  	_ =	swait.ge [sflag:s12], $0x2800  }
0x10: {  	[sflag:s12] =	ssyncset.done $0x0  }
0x11: {  	[sflag:s12] =	ssyncadd.s32 $0xFFFFD800  }
0x12: {  	s17 =	sadd.s32 $0x0, s10;
	[bflag:$0x0] =	sbarrier.arrive $0xFFFF  }
0x13: {  	[tilespmem:s3], [sflag:$0x2] =	stream.linear.gather [hbm4b:s17+s3], $0x80, $0x38;
	[tilespmem:$0x18100] =	vst v63  }
0x14: {  	_ =	swait.ge [sflag:s12], $0x80  }
0x15: {  	[sflag:s12] =	ssyncset.done $0x0  }
0x16: {  	s31 =	sadd.s32 $0x0, s9;
	[sflag:s12] =	ssyncadd.s32 $0xFFFFFF80  }
0x17: {  	[tilespmem:s13], [sflag:$0x2] =	stream.linear.gather [hbm4b:s31+s3], $0x80, $0x38;
	[tilespmem:$0x18100] =	vst v63  }
0x18: {  	_ =	swait.ge [sflag:s12], $0x80  }
0x19: {  	[sflag:s12] =	ssyncset.done $0x0  }
0x1a: {  	[sflag:s12] =	ssyncadd.s32 $0xFFFFFF80  }
0x1b: {  	[tilespmem:s14], [sflag:$0x1] =	stream.indirect.gather [hbm4b:s4+s13], $0x80, s3, s13, $0xb8;
	[tilespmem:$0x18100] =	vst v63  }
0x1c: {  	_ =	swait.ge [sflag:s15], $0x4000  }
0x1d: {  	[sflag:s15] =	ssyncset.done $0x0  }
0x1e: {  	[sflag:s15] =	ssyncadd.s32 $0xFFFFC000  }
0x1f: {  	[spmem:s2] =	stream.indirect.scatter.add.f32 [tilespmem:s14], [sflag:$0x2], $0x80, s13, s13, $0xb8;
	[tilespmem:$0x18100] =	vst v63  }
0x20: {  	_ =	swait.ge [sflag:s12], $0x4000  }
0x21: {  	s18 =	simm.s32 $0x20;
	s17 =	simm.s32 $0x10;
	[sflag:s12] =	ssyncset.done $0x0  }
.LBB2_2:
0x22: {  	s19 =	sadd.s32 s17, s10  }
0x23: {  	[sflag:s12] =	ssyncadd.s32 $0xFFFFC000;
	s20 =	smov.u32 s18;
	s21 =	sadd.s32 $0x10, s18  }
0x24: {  	[tilespmem:s3], [sflag:$0x2] =	stream.linear.gather [hbm4b:s19+s3], $0x80, $0x38;
	[tilespmem:$0x18100] =	vst v63  }
0x25: {  	p0 =	sne.s32 s18, $0x4F0;
	_ =	swait.ge [sflag:s12], $0x80  }
0x26: {  	[sflag:s12] =	ssyncset.done $0x0  }
0x27: {  	s18 =	sadd.s32 s17, s9;
	s17 =	smov.u32 s20;
	[sflag:s12] =	ssyncadd.s32 $0xFFFFFF80  }
0x28: {  	[tilespmem:s13], [sflag:$0x2] =	stream.linear.gather [hbm4b:s18+s3], $0x80, $0x38;
	[tilespmem:$0x18100] =	vst v63  }
0x29: {  	_ =	swait.ge [sflag:s12], $0x80  }
0x2a: {  	[sflag:s12] =	ssyncset.done $0x0  }
0x2b: {  	[sflag:s12] =	ssyncadd.s32 $0xFFFFFF80  }
0x2c: {  	[tilespmem:s14], [sflag:$0x1] =	stream.indirect.gather [hbm4b:s4+s13], $0x80, s3, s13, $0xb8;
	[tilespmem:$0x18100] =	vst v63  }
0x2d: {  	_ =	swait.ge [sflag:s15], $0x4000  }
.Ltmp0:
0x2e: {  	[sflag:s15] =	ssyncset.done $0x0;
	(pc) =	sbr.rel @p0 .LBB2_2-.Ltmp0, $4  }
0x2f: {  	[sflag:s15] =	ssyncadd.s32 $0xFFFFC000  }
0x30: {  	[spmem:s2] =	stream.indirect.scatter.add.f32 [tilespmem:s14], [sflag:$0x2], $0x80, s13, s13, $0xb8;
	[tilespmem:$0x18100] =	vst v63  }
0x31: {  	_ =	swait.ge [sflag:s12], $0x4000  }
0x32: {  	s18 =	smov.u32 s21;
	[sflag:s12] =	ssyncset.done $0x0  }
0x33: {  	s18 =	sadd.s32 s17, s10;
	[sflag:s12] =	ssyncadd.s32 $0xFFFFC000  }
0x34: {  	[tilespmem:s3], [sflag:$0x2] =	stream.linear.gather [hbm4b:s18+s3], $0x80, $0x38;
	[tilespmem:$0x18100] =	vst v63  }
0x35: {  	_ =	swait.ge [sflag:s12], $0x80  }
0x36: {  	[sflag:s12] =	ssyncset.done $0x0  }
0x37: {  	s31 =	sadd.s32 s17, s9;
	[sflag:s12] =	ssyncadd.s32 $0xFFFFFF80  }
0x38: {  	[tilespmem:s13], [sflag:$0x2] =	stream.linear.gather [hbm4b:s31+s3], $0x80, $0x38;
	[tilespmem:$0x18100] =	vst v63  }
0x39: {  	_ =	swait.ge [sflag:s12], $0x80  }
0x3a: {  	[sflag:s12] =	ssyncset.done $0x0  }
0x3b: {  	[sflag:s12] =	ssyncadd.s32 $0xFFFFFF80  }
0x3c: {  	[tilespmem:s14], [sflag:$0x1] =	stream.indirect.gather [hbm4b:s4+s13], $0x80, s3, s13, $0xb8;
	[tilespmem:$0x18100] =	vst v63  }
0x3d: {  	_ =	swait.ge [sflag:s15], $0x4000  }
0x3e: {  	[sflag:s15] =	ssyncset.done $0x0  }
0x3f: {  	[sflag:s15] =	ssyncadd.s32 $0xFFFFC000  }
0x40: {  	[spmem:s2] =	stream.indirect.scatter.add.f32 [tilespmem:s14], [sflag:$0x2], $0x80, s13, s13, $0xb8;
	[tilespmem:$0x18100] =	vst v63  }
0x41: {  	_ =	swait.ge [sflag:s12], $0x4000  }
0x42: {  	s16 =	sadd.s32 $0x1, s16;
	[sflag:s12] =	ssyncset.done $0x0  }
0x43: {  	p0 =	sne.s32 s16, s8;
	[sflag:s12] =	ssyncadd.s32 $0xFFFFC000  }
.Ltmp1:
0x44: {  	[bflag:$0x0] =	sbarrier.arrive $0xFFFF;
	(pc) =	sbr.rel @p0 .LBB2_1-.Ltmp1, $4  }
0x45: {  	[hbm:s7], [sflag:s6] =	dma.local [spmem:s11], $0x2800  }
0x46: {  	_ =	swait.ge [sflag:s12], $0x2800  }
0x47: {  	[sflag:s12] =	ssyncset.done $0x0  }
0x48: {  	[sflag:s12] =	ssyncadd.s32 $0xFFFFD800  }
0x49: {  	_ =	sfence.sel $0x180000  }
0x4a: {  	[bflag:$0x0] =	sbarrier.arrive $0xFFFF  }
0x4b: {  	p0 =	sne.s32 s1, $0x0;
	_ =	strace $0x9000004A  }
0x4c: {  	s0 =	sadd.s32 @!p0 $0x100000, s0;
	[bflag:$0x2] =	sbarrier.arrive $0xFFFF  }
0x4d: {  	[sflag:s0] =	ssyncadd.tile.s32 @!p0 $0x1;
	_ =	shalt  }
.Lfunc_end2:
_tile_overlayer_lowered:
.L_overlay_start_2:
0x4e: {  	(tag) =	ssettag $0x2  }
0x4f: {  	s0 =	rddreg [dreg:$0x0];
	s2 =	stileid.u32  }
0x50: {  	s1 =	rddreg [dreg:$0x1];
	p0 =	sne.s32 s2, $0x0  }
0x51: {  	s3 =	rddreg [dreg:$0x2];
	[bflag:$0x3] =	sbarrier.arrive $0xFFFF;
	s2 =	simm.s32 @!p0 $0x1C02  }
0x52: {  	[timem:s3], [sflag:s2] =	dma.local @!p0 [hbm:s0], s1  }
0x53: {  	s0 =	simm.s32 @!p0 $0x2  }
0x54: {  	_ =	swait.ge @!p0 [sflag:s0], s1  }
0x55: {  	s1 =	ssub.s32 @!p0 $0x0, s1;
	[sflag:s0] =	ssyncset.done @!p0 $0x0  }
0x56: {  	[sflag:s0] =	ssyncadd.s32 @!p0 s1  }
0x57: {  	[bflag:$0x3] =	sbarrier.arrive $0xFFFF  }
0x58: {  	_ =	shalt  }

// kernel: kernel.16.cloned.1.call-start
scs
__scs_entry_jumppad:
0x0: {  	(pc) =	sbr.rel $0x88, $3  }
0x1: {  	(tag) =	ssettag $0x0;
	lr =	simm.s32 $0x1  }
0x2: {  	[smem:$0x3F96] =	sst lr;
	_ =	strace $0xD0000000  }
0x3: {  	_ = 	snop  }
0x4: {  	_ = 	snop  }
0x5: {  	_ = 	snop  }
0x6: {  	_ = 	snop  }
0x7: {  	_ = 	snop  }
__scs_overlays_trampoline_lowered:
0x8: {  	[smem:$0x3FA5] =	sst s0  }
0x9: {  	[smem:$0x3FA6] =	sst s1  }
0xa: {  	[smem:$0x3FA7] =	sst s2  }
0xb: {  	[smem:$0x3FA8] =	sst s3  }
0xc: {  	[smem:$0x3FA9] =	sst s4  }
0xd: {  	[smem:$0x3FAA] =	sst s5  }
0xe: {  	[smem:$0x3FAB] =	sst s6  }
0xf: {  	[smem:$0x3FAC] =	sst s7  }
0x10: {  	[smem:$0x3FAD] =	sst s8  }
0x11: {  	[smem:$0x3FAE] =	sst s9;
	s0 =	simm.s32 @!p0 $0x0  }
0x12: {  	s1 =	sld [smem:$0x3F94];
	s0 =	simm.s32 @p0 $0x1  }
0x13: {  	[smem:$0x3FAF] =	sst s0;
	s0 =	simm.s32 @!p1 $0x0  }
0x14: {  	s2 =	sld [smem:$0x3F93];
	s0 =	simm.s32 @p1 $0x1  }
0x15: {  	[smem:$0x3FB0] =	sst s0;
	s0 =	simm.s32 @!p2 $0x0  }
0x16: {  	s3 =	sld [smem:$0x3FDB];
	s0 =	simm.s32 @p2 $0x1  }
0x17: {  	s4 =	simm.s32 $0x1BF5;
	[smem:$0x3FB2] =	sst s0  }
0x18: {  	s0 =	sld [smem:$0x3F95];
	_ =	swait.ge [sflag:s4], $0x0  }
0x19: {  	s7 =	sld [smem:$0x3F96]  }
0x1a: {  	s8 =	sadd.s32 $0xFFFFE003, lr  }
0x1b: {  	s9 =	sadd.s32 $0xFFFFFEF7, lr;
	s5 =	simm.s32 $0xFFFFFFFF;
	p2 =	slt.u32 s8, $0xFFFFF086  }
0x1c: {  	p1 =	slt.u32 s9, $0xF7A;
	s5 =	simm.s32 @!p2 $0x0  }
0x1d: {  	s5 =	simm.s32 @p1 $0x1;
	p0 =	seq.s32 s7, s2  }
0x1e: {  	s7 =	smul.u32 @!p0 $0xF7A, s2;
	p2 =	seq.s32 @!p0 s5, $0x0  }
0x1f: {  	s9 =	smul.u32 $0xF7A, s1;
	s8 =	simm.s32 @!p0 $0x1BF5;
	p2 =	por !p2, p0  }
0x20: {  	[sflag:s8] =	ssyncset.s32 @!p0 $0xFFFFF086;
	s6 =	sadd.s32 @!p0 s3, s7;
	s7 =	simm.s32 @!p0 $0x108  }
0x21: {  	s3 =	sadd.s32 s3, s9;
	s6 =	sadd.s32 @!p0 $0x88, s6;
	s7 =	simm.s32 @p2 $0x1082  }
0x22: {  	[simem:s7], [sflag:s8] =	dma.local @!p0 [hbm:s6], $0xF7A  }
0x23: {  	s9 =	sor.u32 $0xD0000000, s2;
	s6 =	simm.s32 $0x108;
	_ =	swait.ge @!p0 [sflag:s8], $0x0  }
0x24: {  	s3 =	sadd.s32 $0x88, s3;
	s6 =	simm.s32 @!p1 $0x1082;
	[sflag:s4] =	ssyncset.s32 $0xFFFFF086  }
0x25: {  	[simem:s6], [sflag:s4] =	dma.local [hbm:s3], $0xF7A  }
0x26: {  	[smem:$0x3F96] =	sst s1;
	(tag) =	ssettag s2;
	_ =	strace s9  }
0x27: {  	s1 =	sld [smem:$0x3FA6]  }
0x28: {  	s2 =	sld [smem:$0x3FA7]  }
0x29: {  	s4 =	sld [smem:$0x3FA9]  }
0x2a: {  	p0 =	seq.s32 s5, $0x0;
	s5 =	sld [smem:$0x3FAA]  }
0x2b: {  	s6 =	sld [smem:$0x3FAB]  }
0x2c: {  	s7 =	sld [smem:$0x3FAC]  }
0x2d: {  	s3 =	simm.s32 $0x108;
	s8 =	sld [smem:$0x3FAD]  }
0x2e: {  	s3 =	simm.s32 @!p0 $0x1082;
	s9 =	sld [smem:$0x3FAE]  }
0x2f: {  	lr =	sadd.s32 s0, s3;
	s0 =	sld [smem:$0x3FA5]  }
0x30: {  	s3 =	sld [smem:$0x3FA8]  }
0x31: {  	[smem:$0x3FB1] =	sst s10  }
0x32: {  	s10 =	sld [smem:$0x3FAF];
	_ =	sdelay $0x3  }
0x33: {  	p0 =	seq.s32 s10, $0x1;
	s10 =	sld [smem:$0x3FB1];
	_ =	sdelay $0x3  }
0x34: {  	[smem:$0x3FB1] =	sst s10  }
0x35: {  	s10 =	sld [smem:$0x3FB0];
	_ =	sdelay $0x3  }
0x36: {  	p1 =	seq.s32 s10, $0x1;
	s10 =	sld [smem:$0x3FB1];
	_ =	sdelay $0x3  }
0x37: {  	[smem:$0x3FB1] =	sst s10  }
0x38: {  	s10 =	sld [smem:$0x3FB2]  }
0x39: {  	_ = 	snop;
	(pc) =	sbr.ind lr, $3  }
0x3a: {  	_ = 	snop  }
0x3b: {  	_ = 	snop  }
0x3c: {  	p2 =	seq.s32 s10, $0x1;
	s10 =	sld [smem:$0x3FB1]  }
0x3d: {  	_ =	shalt  }
0x3e: {  	_ =	shalt  }
0x3f: {  	_ =	shalt  }
0x40: {  	_ =	shalt  }
0x41: {  	_ =	shalt  }
0x42: {  	_ =	shalt  }
0x43: {  	_ =	shalt  }
0x44: {  	_ =	shalt  }
0x45: {  	_ =	shalt  }
0x46: {  	_ =	shalt  }
0x47: {  	_ =	shalt  }
0x48: {  	_ =	shalt  }
0x49: {  	_ =	shalt  }
0x4a: {  	_ =	shalt  }
0x4b: {  	_ =	shalt  }
0x4c: {  	_ =	shalt  }
0x4d: {  	_ =	shalt  }
0x4e: {  	_ =	shalt  }
0x4f: {  	_ =	shalt  }
0x50: {  	_ =	shalt  }
0x51: {  	_ =	shalt  }
0x52: {  	_ =	shalt  }
0x53: {  	_ =	shalt  }
0x54: {  	_ =	shalt  }
0x55: {  	_ =	shalt  }
0x56: {  	_ =	shalt  }
0x57: {  	_ =	shalt  }
0x58: {  	_ =	shalt  }
0x59: {  	_ =	shalt  }
0x5a: {  	_ =	shalt  }
0x5b: {  	_ =	shalt  }
0x5c: {  	_ =	shalt  }
0x5d: {  	_ =	shalt  }
0x5e: {  	_ =	shalt  }
0x5f: {  	_ =	shalt  }
0x60: {  	_ =	shalt  }
0x61: {  	_ =	shalt  }
0x62: {  	_ =	shalt  }
0x63: {  	_ =	shalt  }
0x64: {  	_ =	shalt  }
0x65: {  	_ =	shalt  }
0x66: {  	_ =	shalt  }
0x67: {  	_ =	shalt  }
0x68: {  	_ =	shalt  }
0x69: {  	_ =	shalt  }
0x6a: {  	_ =	shalt  }
0x6b: {  	_ =	shalt  }
0x6c: {  	_ =	shalt  }
0x6d: {  	_ =	shalt  }
0x6e: {  	_ =	shalt  }
0x6f: {  	_ =	shalt  }
0x70: {  	_ =	shalt  }
0x71: {  	_ =	shalt  }
0x72: {  	_ =	shalt  }
0x73: {  	_ =	shalt  }
0x74: {  	_ =	shalt  }
0x75: {  	_ =	shalt  }
0x76: {  	_ =	shalt  }
0x77: {  	_ =	shalt  }
0x78: {  	_ =	shalt  }
0x79: {  	_ =	shalt  }
0x7a: {  	_ =	shalt  }
0x7b: {  	_ =	shalt  }
0x7c: {  	_ =	shalt  }
0x7d: {  	_ =	shalt  }
0x7e: {  	_ =	shalt  }
0x7f: {  	_ =	shalt  }
0x80: {  	_ =	shalt  }
0x81: {  	_ =	shalt  }
0x82: {  	_ =	shalt  }
0x83: {  	_ =	shalt  }
0x84: {  	_ =	shalt  }
0x85: {  	_ =	shalt  }
0x86: {  	_ =	shalt  }
0x87: {  	_ =	shalt  }
.Lfunc_end0:
.L_simem_size_0:
called_computation.2_lowered:
.L_overlay_start_0:
0x88: {  	s2 =	sld [smem:$0x3FD9]  }
0x89: {  	s3 =	sld [smem:$0x3FFE];
	_ =	sdelay $0x1  }
0x8a: {  	s1 =	srdreg.scid  }
0x8b: {  	s0 =	sand.u32 $0x1, s1  }
0x8c: {  	s16 =	sshll.u32 s0, $0xA;
	s2 =	sadd.s32 s3, s2  }
0x8d: {  	s2 =	sadd.s32 s2, s16  }
0x8e: {  	[smem:$0x3FBD] =	sst s2  }
0x8f: {  	_ = 	snop  }
0x90: {  	(tm) =	ssettm $0x1  }
0x91: {  	s17 =	sld [smem:$0x3FFB];
	_ =	sdelay $0x3  }
0x92: {  	_ =	strace s17  }
0x93: {  	s2 =	sld [smem:$0x3FFC];
	_ =	sdelay $0x3  }
0x94: {  	_ =	strace s2  }
0x95: {  	s2 =	sld [smem:$0x3FFD];
	_ =	sdelay $0x3  }
0x96: {  	_ =	strace s2  }
0x97: {  	_ =	strace $0x8FFFFFFF  }
0x98: {  	s18 =	sld [smem:$0x3FDB];
	_ =	sdelay $0x1  }
0x99: {  	s19 =	simm.s32 $_scs_section_size  }
0x9a: {  	s4 =	simm.s32 $_size__tile_overlayer_lowered;
	s5 =	simm.s32 $_tile_overlayer_lowered  }
0x9b: {  	s22 =	simm.s32 $0x1BFF;
	s21 =	sshll.u32 s5, $0x1;
	s2 =	sadd.s32 s19, s18  }
0x9c: {  	s6 =	simm.s32 $0x0;
	s20 =	sshll.u32 s4, $0x1;
	s4 =	sadd.s32 s21, s2  }
0x9d: {  	[timem:s6], [sflag:s22] =	dma.local [hbm:s4], s20  }
0x9e: {  	_ =	swait.ge [sflag:s22], s20  }
0x9f: {  	s3 =	ssub.s32 $0x0, s20;
	[sflag:s22] =	ssyncset.done $0x0  }
0xa0: {  	[sflag:s22] =	ssyncadd.s32 s3;
	_ =	sdelay $0x1  }
0xa1: {  	s23 =	simm.s32 $0x1B8B  }
0xa2: {  	_ =	swait.ge [sflag:s23], $0x1  }
0xa3: {  	[sflag:s23] =	ssyncset.done $0x0  }
0xa4: {  	s25 =	simm.s32 $0x1B8E;
	s24 =	sld [smem:$0x3FFE];
	[sflag:s23] =	ssyncadd.s32 $0xFFFFFFFF  }
0xa5: {  	s26 =	simm.s32 $execute0_lowered;
	[smem:$0x3FD2] =	sst s25  }
0xa6: {  	s4 =	sshll.u32 s26, $0x1;
	_ =	strace $0x8000004C;
	[dreg:$0x1] =	wrdreg $0xFFFFFFFF  }
0xa7: {  	s28 =	simm.s32 $_size_execute0_lowered;
	s2 =	sadd.s32 s2, s4;
	[dreg:$0x0] =	wrdreg $0x0  }
0xa8: {  	s4 =	sshll.u32 s28, $0x1;
	[dreg:$0x2] =	wrdreg s2  }
0xa9: {  	[dreg:$0x3] =	wrdreg s4  }
0xaa: {  	[dreg:$0x4] =	wrdreg $0xC0  }
0xab: {  	_ =	task [dreg:s6], $0x5FFFF  }
0xac: {  	[dreg:$0x1] =	wrdreg $0xFFFFFFFF  }
0xad: {  	[dreg:$0x0] =	wrdreg $0x60  }
0xae: {  	[dreg:$0x2] =	wrdreg s24  }
0xaf: {  	[dreg:$0x3] =	wrdreg $0x41000  }
0xb0: {  	[dreg:$0x4] =	wrdreg $0x9  }
0xb1: {  	_ =	task.clear_ibuf [dreg:s6], $0x5FFFF;
	_ =	strace $0x9000004C  }
0xb2: {  	s29 =	simm.s32 $0x9;
	_ =	strace $0x8000004E  }
0xb3: {  	_ =	swait.ge [sflag:s29], $0x1  }
0xb4: {  	[sflag:s29] =	ssyncadd.s32 $0xFFFFFFFF  }
0xb5: {  	_ =	strace $0x9000004E  }
0xb6: {  	_ =	sfence  }
0xb7: {  	s30 =	sld [smem:$0x0];
	_ =	sdelay $0x2  }
0xb8: {  	s31 =	sshll.u32 s1, $0xD;
	s1 =	sshrl.u32 s1, $0x2  }
0xb9: {  	s3 =	sand.u32 $0x4000, s31;
	s1 =	sadd.s32 s1, s30  }
0xba: {  	s0 =	sor.u32 s3, s0;
	s1 =	sshll.u32 s1, $0x11  }
0xbb: {  	s0 =	sor.u32 s1, s0  }
0xbc: {  	s0 =	sadd.s32 $0x8F2B, s0  }
0xbd: {  	[sflag:s0] =	ssyncadd.remote.s32 $0x1  }
0xbe: {  	_ =	sfence.sel $0xFFFF  }
0xbf: {  	[dreg:$0x0] =	wrdreg $0xFFFFFFFF;
	(pc) =	sbr.abs _section_cstart, $3  }
0xc0: {  	[dreg:$0x1] =	wrdreg $0xFFFFFFFF  }
0xc1: {  	_ =	task.clear_ibuf [dreg:s6], $0x2FFFF;
	_ =	strace $0x9FFFFFFF  }
0xc2: {  	(tm) =	ssettm $0x7FFFFFFF  }
0xc3: {  	_ =	shalt  }
tec
execute0_lowered:
.L_overlay_start_1:
0x0: {  	(tag) =	ssettag $0x1  }
0x1: {  	s6 =	rddreg [dreg:$0x0];
	s0 =	srdreg.scid  }
0x2: {  	s2 =	rddreg [dreg:$0x1];
	s1 =	stileid.u32  }
0x3: {  	s3 =	simm.s32 $0x0;
	s14 =	simm.s32 $0x100;
	s5 =	smul.u32 $0x2800, s1  }
0x4: {  	s15 =	simm.s32 $0x1;
	s16 =	simm.s32 $0x0;
	s10 =	smul.u32 $0x50000, s1  }
0x5: {  	s7 =	sand.u32 $0x1, s0;
	s0 =	rddreg [dreg:$0x2];
	s11 =	smul.u32 $0x500, s1  }
0x6: {  	[smem:$0x7FF] =	sst s3;
	s30 =	sshll.u32 s1, $0x6;
	s4 =	smul.u32 $0x5000, s7  }
0x7: {  	s8 =	smul.u32 $0x28000, s7;
	_ =	strace $0x8000004D;
	s29 =	ssub.s32 $0x2, s7  }
0x8: {  	s7 =	sshrl.u32 s29, $0x1;
	s10 =	sshrl.u32 s10, $0x2;
	s9 =	sadd.s32 s4, s6  }
0x9: {  	s4 =	sadd.s32 $0xCC00, s6;
	s8 =	sadd.s32 s5, s8;
	s5 =	sadd.s32 $0x34C00, s6  }
0xa: {  	s12 =	ssub.s32 s29, s7;
	s13 =	sadd.s32 s10, s2;
	s8 =	sadd.s32 s8, s6  }
0xb: {  	s6 =	sor.u32 $0x1C02, s30;
	s31 =	sadd.s32 s11, s9;
	s11 =	sshrl.u32 s13, $0x3  }
0xc: {  	s13 =	simm.s32 $0x80;
	s7 =	sadd.s32 $0x69C00, s8;
	s8 =	smax.u32 s12, $0x1  }
0xd: {  	s9 =	sadd.s32 $0x2C00, s31;
	s10 =	sadd.s32 $0x5FC00, s31;
	s12 =	simm.s32 $0x2  }
.LBB2_1:
0xe: {  	[spmem:s11], [sflag:s6] =	dma.local [hbm:s5], $0x2800  }
0xf: {  	_ =	swait.ge [sflag:s12], $0x2800  }
0x10: {  	[sflag:s12] =	ssyncset.done $0x0  }
0x11: {  	[sflag:s12] =	ssyncadd.s32 $0xFFFFD800  }
0x12: {  	s17 =	sadd.s32 $0x0, s10;
	[bflag:$0x0] =	sbarrier.arrive $0xFFFF  }
0x13: {  	[tilespmem:s3], [sflag:$0x2] =	stream.linear.gather [hbm4b:s17+s3], $0x80, $0x38;
	[tilespmem:$0x18100] =	vst v63  }
0x14: {  	_ =	swait.ge [sflag:s12], $0x80  }
0x15: {  	[sflag:s12] =	ssyncset.done $0x0  }
0x16: {  	s31 =	sadd.s32 $0x0, s9;
	[sflag:s12] =	ssyncadd.s32 $0xFFFFFF80  }
0x17: {  	[tilespmem:s13], [sflag:$0x2] =	stream.linear.gather [hbm4b:s31+s3], $0x80, $0x38;
	[tilespmem:$0x18100] =	vst v63  }
0x18: {  	_ =	swait.ge [sflag:s12], $0x80  }
0x19: {  	[sflag:s12] =	ssyncset.done $0x0  }
0x1a: {  	[sflag:s12] =	ssyncadd.s32 $0xFFFFFF80  }
0x1b: {  	[tilespmem:s14], [sflag:$0x1] =	stream.indirect.gather [hbm4b:s4+s13], $0x80, s3, s13, $0xb8;
	[tilespmem:$0x18100] =	vst v63  }
0x1c: {  	_ =	swait.ge [sflag:s15], $0x4000  }
0x1d: {  	[sflag:s15] =	ssyncset.done $0x0  }
0x1e: {  	[sflag:s15] =	ssyncadd.s32 $0xFFFFC000  }
0x1f: {  	[spmem:s2] =	stream.indirect.scatter.add.f32 [tilespmem:s14], [sflag:$0x2], $0x80, s13, s13, $0xb8;
	[tilespmem:$0x18100] =	vst v63  }
0x20: {  	_ =	swait.ge [sflag:s12], $0x4000  }
0x21: {  	s18 =	simm.s32 $0x20;
	s17 =	simm.s32 $0x10;
	[sflag:s12] =	ssyncset.done $0x0  }
.LBB2_2:
0x22: {  	s19 =	sadd.s32 s17, s10  }
0x23: {  	[sflag:s12] =	ssyncadd.s32 $0xFFFFC000;
	s20 =	smov.u32 s18;
	s21 =	sadd.s32 $0x10, s18  }
0x24: {  	[tilespmem:s3], [sflag:$0x2] =	stream.linear.gather [hbm4b:s19+s3], $0x80, $0x38;
	[tilespmem:$0x18100] =	vst v63  }
0x25: {  	p0 =	sne.s32 s18, $0x4F0;
	_ =	swait.ge [sflag:s12], $0x80  }
0x26: {  	[sflag:s12] =	ssyncset.done $0x0  }
0x27: {  	s18 =	sadd.s32 s17, s9;
	s17 =	smov.u32 s20;
	[sflag:s12] =	ssyncadd.s32 $0xFFFFFF80  }
0x28: {  	[tilespmem:s13], [sflag:$0x2] =	stream.linear.gather [hbm4b:s18+s3], $0x80, $0x38;
	[tilespmem:$0x18100] =	vst v63  }
0x29: {  	_ =	swait.ge [sflag:s12], $0x80  }
0x2a: {  	[sflag:s12] =	ssyncset.done $0x0  }
0x2b: {  	[sflag:s12] =	ssyncadd.s32 $0xFFFFFF80  }
0x2c: {  	[tilespmem:s14], [sflag:$0x1] =	stream.indirect.gather [hbm4b:s4+s13], $0x80, s3, s13, $0xb8;
	[tilespmem:$0x18100] =	vst v63  }
0x2d: {  	_ =	swait.ge [sflag:s15], $0x4000  }
.Ltmp0:
0x2e: {  	[sflag:s15] =	ssyncset.done $0x0;
	(pc) =	sbr.rel @p0 .LBB2_2-.Ltmp0, $4  }
0x2f: {  	[sflag:s15] =	ssyncadd.s32 $0xFFFFC000  }
0x30: {  	[spmem:s2] =	stream.indirect.scatter.add.f32 [tilespmem:s14], [sflag:$0x2], $0x80, s13, s13, $0xb8;
	[tilespmem:$0x18100] =	vst v63  }
0x31: {  	_ =	swait.ge [sflag:s12], $0x4000  }
0x32: {  	s18 =	smov.u32 s21;
	[sflag:s12] =	ssyncset.done $0x0  }
0x33: {  	s18 =	sadd.s32 s17, s10;
	[sflag:s12] =	ssyncadd.s32 $0xFFFFC000  }
0x34: {  	[tilespmem:s3], [sflag:$0x2] =	stream.linear.gather [hbm4b:s18+s3], $0x80, $0x38;
	[tilespmem:$0x18100] =	vst v63  }
0x35: {  	_ =	swait.ge [sflag:s12], $0x80  }
0x36: {  	[sflag:s12] =	ssyncset.done $0x0  }
0x37: {  	s31 =	sadd.s32 s17, s9;
	[sflag:s12] =	ssyncadd.s32 $0xFFFFFF80  }
0x38: {  	[tilespmem:s13], [sflag:$0x2] =	stream.linear.gather [hbm4b:s31+s3], $0x80, $0x38;
	[tilespmem:$0x18100] =	vst v63  }
0x39: {  	_ =	swait.ge [sflag:s12], $0x80  }
0x3a: {  	[sflag:s12] =	ssyncset.done $0x0  }
0x3b: {  	[sflag:s12] =	ssyncadd.s32 $0xFFFFFF80  }
0x3c: {  	[tilespmem:s14], [sflag:$0x1] =	stream.indirect.gather [hbm4b:s4+s13], $0x80, s3, s13, $0xb8;
	[tilespmem:$0x18100] =	vst v63  }
0x3d: {  	_ =	swait.ge [sflag:s15], $0x4000  }
0x3e: {  	[sflag:s15] =	ssyncset.done $0x0  }
0x3f: {  	[sflag:s15] =	ssyncadd.s32 $0xFFFFC000  }
0x40: {  	[spmem:s2] =	stream.indirect.scatter.add.f32 [tilespmem:s14], [sflag:$0x2], $0x80, s13, s13, $0xb8;
	[tilespmem:$0x18100] =	vst v63  }
0x41: {  	_ =	swait.ge [sflag:s12], $0x4000  }
0x42: {  	s16 =	sadd.s32 $0x1, s16;
	[sflag:s12] =	ssyncset.done $0x0  }
0x43: {  	p0 =	sne.s32 s16, s8;
	[sflag:s12] =	ssyncadd.s32 $0xFFFFC000  }
.Ltmp1:
0x44: {  	[bflag:$0x0] =	sbarrier.arrive $0xFFFF;
	(pc) =	sbr.rel @p0 .LBB2_1-.Ltmp1, $4  }
0x45: {  	[hbm:s7], [sflag:s6] =	dma.local [spmem:s11], $0x2800  }
0x46: {  	_ =	swait.ge [sflag:s12], $0x2800  }
0x47: {  	[sflag:s12] =	ssyncset.done $0x0  }
0x48: {  	[sflag:s12] =	ssyncadd.s32 $0xFFFFD800  }
0x49: {  	_ =	sfence.sel $0x180000  }
0x4a: {  	[bflag:$0x0] =	sbarrier.arrive $0xFFFF  }
0x4b: {  	p0 =	sne.s32 s1, $0x0;
	_ =	strace $0x9000004D  }
0x4c: {  	s0 =	sadd.s32 @!p0 $0x100000, s0;
	[bflag:$0x2] =	sbarrier.arrive $0xFFFF  }
0x4d: {  	[sflag:s0] =	ssyncadd.tile.s32 @!p0 $0x1;
	_ =	shalt  }
.Lfunc_end2:
_tile_overlayer_lowered:
.L_overlay_start_2:
0x4e: {  	(tag) =	ssettag $0x2  }
0x4f: {  	s0 =	rddreg [dreg:$0x0];
	s2 =	stileid.u32  }
0x50: {  	s1 =	rddreg [dreg:$0x1];
	p0 =	sne.s32 s2, $0x0  }
0x51: {  	s3 =	rddreg [dreg:$0x2];
	[bflag:$0x3] =	sbarrier.arrive $0xFFFF;
	s2 =	simm.s32 @!p0 $0x1C02  }
0x52: {  	[timem:s3], [sflag:s2] =	dma.local @!p0 [hbm:s0], s1  }
0x53: {  	s0 =	simm.s32 @!p0 $0x2  }
0x54: {  	_ =	swait.ge @!p0 [sflag:s0], s1  }
0x55: {  	s1 =	ssub.s32 @!p0 $0x0, s1;
	[sflag:s0] =	ssyncset.done @!p0 $0x0  }
0x56: {  	[sflag:s0] =	ssyncadd.s32 @!p0 s1  }
0x57: {  	[bflag:$0x3] =	sbarrier.arrive $0xFFFF  }
0x58: {  	_ =	shalt  }

// kernel: kernel.19.cloned.1.call-start
scs
__scs_entry_jumppad:
0x0: {  	(pc) =	sbr.rel $0x88, $3  }
0x1: {  	(tag) =	ssettag $0x0;
	lr =	simm.s32 $0x1  }
0x2: {  	[smem:$0x3F96] =	sst lr;
	_ =	strace $0xD0000000  }
0x3: {  	_ = 	snop  }
0x4: {  	_ = 	snop  }
0x5: {  	_ = 	snop  }
0x6: {  	_ = 	snop  }
0x7: {  	_ = 	snop  }
__scs_overlays_trampoline_lowered:
0x8: {  	[smem:$0x3FA5] =	sst s0  }
0x9: {  	[smem:$0x3FA6] =	sst s1  }
0xa: {  	[smem:$0x3FA7] =	sst s2  }
0xb: {  	[smem:$0x3FA8] =	sst s3  }
0xc: {  	[smem:$0x3FA9] =	sst s4  }
0xd: {  	[smem:$0x3FAA] =	sst s5  }
0xe: {  	[smem:$0x3FAB] =	sst s6  }
0xf: {  	[smem:$0x3FAC] =	sst s7  }
0x10: {  	[smem:$0x3FAD] =	sst s8  }
0x11: {  	[smem:$0x3FAE] =	sst s9;
	s0 =	simm.s32 @!p0 $0x0  }
0x12: {  	s1 =	sld [smem:$0x3F94];
	s0 =	simm.s32 @p0 $0x1  }
0x13: {  	[smem:$0x3FAF] =	sst s0;
	s0 =	simm.s32 @!p1 $0x0  }
0x14: {  	s2 =	sld [smem:$0x3F93];
	s0 =	simm.s32 @p1 $0x1  }
0x15: {  	[smem:$0x3FB0] =	sst s0;
	s0 =	simm.s32 @!p2 $0x0  }
0x16: {  	s3 =	sld [smem:$0x3FDB];
	s0 =	simm.s32 @p2 $0x1  }
0x17: {  	s4 =	simm.s32 $0x1BF5;
	[smem:$0x3FB2] =	sst s0  }
0x18: {  	s0 =	sld [smem:$0x3F95];
	_ =	swait.ge [sflag:s4], $0x0  }
0x19: {  	s7 =	sld [smem:$0x3F96]  }
0x1a: {  	s8 =	sadd.s32 $0xFFFFE003, lr  }
0x1b: {  	s9 =	sadd.s32 $0xFFFFFEF7, lr;
	s5 =	simm.s32 $0xFFFFFFFF;
	p2 =	slt.u32 s8, $0xFFFFF086  }
0x1c: {  	p1 =	slt.u32 s9, $0xF7A;
	s5 =	simm.s32 @!p2 $0x0  }
0x1d: {  	s5 =	simm.s32 @p1 $0x1;
	p0 =	seq.s32 s7, s2  }
0x1e: {  	s7 =	smul.u32 @!p0 $0xF7A, s2;
	p2 =	seq.s32 @!p0 s5, $0x0  }
0x1f: {  	s9 =	smul.u32 $0xF7A, s1;
	s8 =	simm.s32 @!p0 $0x1BF5;
	p2 =	por !p2, p0  }
0x20: {  	[sflag:s8] =	ssyncset.s32 @!p0 $0xFFFFF086;
	s6 =	sadd.s32 @!p0 s3, s7;
	s7 =	simm.s32 @!p0 $0x108  }
0x21: {  	s3 =	sadd.s32 s3, s9;
	s6 =	sadd.s32 @!p0 $0x88, s6;
	s7 =	simm.s32 @p2 $0x1082  }
0x22: {  	[simem:s7], [sflag:s8] =	dma.local @!p0 [hbm:s6], $0xF7A  }
0x23: {  	s9 =	sor.u32 $0xD0000000, s2;
	s6 =	simm.s32 $0x108;
	_ =	swait.ge @!p0 [sflag:s8], $0x0  }
0x24: {  	s3 =	sadd.s32 $0x88, s3;
	s6 =	simm.s32 @!p1 $0x1082;
	[sflag:s4] =	ssyncset.s32 $0xFFFFF086  }
0x25: {  	[simem:s6], [sflag:s4] =	dma.local [hbm:s3], $0xF7A  }
0x26: {  	[smem:$0x3F96] =	sst s1;
	(tag) =	ssettag s2;
	_ =	strace s9  }
0x27: {  	s1 =	sld [smem:$0x3FA6]  }
0x28: {  	s2 =	sld [smem:$0x3FA7]  }
0x29: {  	s4 =	sld [smem:$0x3FA9]  }
0x2a: {  	p0 =	seq.s32 s5, $0x0;
	s5 =	sld [smem:$0x3FAA]  }
0x2b: {  	s6 =	sld [smem:$0x3FAB]  }
0x2c: {  	s7 =	sld [smem:$0x3FAC]  }
0x2d: {  	s3 =	simm.s32 $0x108;
	s8 =	sld [smem:$0x3FAD]  }
0x2e: {  	s3 =	simm.s32 @!p0 $0x1082;
	s9 =	sld [smem:$0x3FAE]  }
0x2f: {  	lr =	sadd.s32 s0, s3;
	s0 =	sld [smem:$0x3FA5]  }
0x30: {  	s3 =	sld [smem:$0x3FA8]  }
0x31: {  	[smem:$0x3FB1] =	sst s10  }
0x32: {  	s10 =	sld [smem:$0x3FAF];
	_ =	sdelay $0x3  }
0x33: {  	p0 =	seq.s32 s10, $0x1;
	s10 =	sld [smem:$0x3FB1];
	_ =	sdelay $0x3  }
0x34: {  	[smem:$0x3FB1] =	sst s10  }
0x35: {  	s10 =	sld [smem:$0x3FB0];
	_ =	sdelay $0x3  }
0x36: {  	p1 =	seq.s32 s10, $0x1;
	s10 =	sld [smem:$0x3FB1];
	_ =	sdelay $0x3  }
0x37: {  	[smem:$0x3FB1] =	sst s10  }
0x38: {  	s10 =	sld [smem:$0x3FB2]  }
0x39: {  	_ = 	snop;
	(pc) =	sbr.ind lr, $3  }
0x3a: {  	_ = 	snop  }
0x3b: {  	_ = 	snop  }
0x3c: {  	p2 =	seq.s32 s10, $0x1;
	s10 =	sld [smem:$0x3FB1]  }
0x3d: {  	_ =	shalt  }
0x3e: {  	_ =	shalt  }
0x3f: {  	_ =	shalt  }
0x40: {  	_ =	shalt  }
0x41: {  	_ =	shalt  }
0x42: {  	_ =	shalt  }
0x43: {  	_ =	shalt  }
0x44: {  	_ =	shalt  }
0x45: {  	_ =	shalt  }
0x46: {  	_ =	shalt  }
0x47: {  	_ =	shalt  }
0x48: {  	_ =	shalt  }
0x49: {  	_ =	shalt  }
0x4a: {  	_ =	shalt  }
0x4b: {  	_ =	shalt  }
0x4c: {  	_ =	shalt  }
0x4d: {  	_ =	shalt  }
0x4e: {  	_ =	shalt  }
0x4f: {  	_ =	shalt  }
0x50: {  	_ =	shalt  }
0x51: {  	_ =	shalt  }
0x52: {  	_ =	shalt  }
0x53: {  	_ =	shalt  }
0x54: {  	_ =	shalt  }
0x55: {  	_ =	shalt  }
0x56: {  	_ =	shalt  }
0x57: {  	_ =	shalt  }
0x58: {  	_ =	shalt  }
0x59: {  	_ =	shalt  }
0x5a: {  	_ =	shalt  }
0x5b: {  	_ =	shalt  }
0x5c: {  	_ =	shalt  }
0x5d: {  	_ =	shalt  }
0x5e: {  	_ =	shalt  }
0x5f: {  	_ =	shalt  }
0x60: {  	_ =	shalt  }
0x61: {  	_ =	shalt  }
0x62: {  	_ =	shalt  }
0x63: {  	_ =	shalt  }
0x64: {  	_ =	shalt  }
0x65: {  	_ =	shalt  }
0x66: {  	_ =	shalt  }
0x67: {  	_ =	shalt  }
0x68: {  	_ =	shalt  }
0x69: {  	_ =	shalt  }
0x6a: {  	_ =	shalt  }
0x6b: {  	_ =	shalt  }
0x6c: {  	_ =	shalt  }
0x6d: {  	_ =	shalt  }
0x6e: {  	_ =	shalt  }
0x6f: {  	_ =	shalt  }
0x70: {  	_ =	shalt  }
0x71: {  	_ =	shalt  }
0x72: {  	_ =	shalt  }
0x73: {  	_ =	shalt  }
0x74: {  	_ =	shalt  }
0x75: {  	_ =	shalt  }
0x76: {  	_ =	shalt  }
0x77: {  	_ =	shalt  }
0x78: {  	_ =	shalt  }
0x79: {  	_ =	shalt  }
0x7a: {  	_ =	shalt  }
0x7b: {  	_ =	shalt  }
0x7c: {  	_ =	shalt  }
0x7d: {  	_ =	shalt  }
0x7e: {  	_ =	shalt  }
0x7f: {  	_ =	shalt  }
0x80: {  	_ =	shalt  }
0x81: {  	_ =	shalt  }
0x82: {  	_ =	shalt  }
0x83: {  	_ =	shalt  }
0x84: {  	_ =	shalt  }
0x85: {  	_ =	shalt  }
0x86: {  	_ =	shalt  }
0x87: {  	_ =	shalt  }
.Lfunc_end0:
.L_simem_size_0:
called_computation.3_lowered:
.L_overlay_start_0:
0x88: {  	s2 =	sld [smem:$0x3FD9]  }
0x89: {  	s3 =	sld [smem:$0x3FFE];
	_ =	sdelay $0x1  }
0x8a: {  	s1 =	srdreg.scid  }
0x8b: {  	s0 =	sand.u32 $0x1, s1  }
0x8c: {  	s16 =	sshll.u32 s0, $0xA;
	s2 =	sadd.s32 s3, s2  }
0x8d: {  	s2 =	sadd.s32 s2, s16  }
0x8e: {  	[smem:$0x3FBD] =	sst s2  }
0x8f: {  	_ = 	snop  }
0x90: {  	(tm) =	ssettm $0x1  }
0x91: {  	s17 =	sld [smem:$0x3FFB];
	_ =	sdelay $0x3  }
0x92: {  	_ =	strace s17  }
0x93: {  	s2 =	sld [smem:$0x3FFC];
	_ =	sdelay $0x3  }
0x94: {  	_ =	strace s2  }
0x95: {  	s2 =	sld [smem:$0x3FFD];
	_ =	sdelay $0x3  }
0x96: {  	_ =	strace s2  }
0x97: {  	_ =	strace $0x8FFFFFFF  }
0x98: {  	s18 =	sld [smem:$0x3FDB];
	_ =	sdelay $0x1  }
0x99: {  	s19 =	simm.s32 $_scs_section_size  }
0x9a: {  	s4 =	simm.s32 $_size__tile_overlayer_lowered;
	s5 =	simm.s32 $_tile_overlayer_lowered  }
0x9b: {  	s22 =	simm.s32 $0x1BFF;
	s21 =	sshll.u32 s5, $0x1;
	s2 =	sadd.s32 s19, s18  }
0x9c: {  	s6 =	simm.s32 $0x0;
	s20 =	sshll.u32 s4, $0x1;
	s4 =	sadd.s32 s21, s2  }
0x9d: {  	[timem:s6], [sflag:s22] =	dma.local [hbm:s4], s20  }
0x9e: {  	_ =	swait.ge [sflag:s22], s20  }
0x9f: {  	s3 =	ssub.s32 $0x0, s20;
	[sflag:s22] =	ssyncset.done $0x0  }
0xa0: {  	[sflag:s22] =	ssyncadd.s32 s3;
	_ =	sdelay $0x1  }
0xa1: {  	s23 =	simm.s32 $0x1B8B  }
0xa2: {  	_ =	swait.ge [sflag:s23], $0x1  }
0xa3: {  	[sflag:s23] =	ssyncset.done $0x0  }
0xa4: {  	s25 =	simm.s32 $0x1B8E;
	s24 =	sld [smem:$0x3FFE];
	[sflag:s23] =	ssyncadd.s32 $0xFFFFFFFF  }
0xa5: {  	s26 =	simm.s32 $execute0_lowered;
	[smem:$0x3FD2] =	sst s25  }
0xa6: {  	s4 =	sshll.u32 s26, $0x1;
	_ =	strace $0x8000004F;
	[dreg:$0x1] =	wrdreg $0xFFFFFFFF  }
0xa7: {  	s28 =	simm.s32 $_size_execute0_lowered;
	s2 =	sadd.s32 s2, s4;
	[dreg:$0x0] =	wrdreg $0x0  }
0xa8: {  	s4 =	sshll.u32 s28, $0x1;
	[dreg:$0x2] =	wrdreg s2  }
0xa9: {  	[dreg:$0x3] =	wrdreg s4  }
0xaa: {  	[dreg:$0x4] =	wrdreg $0xC0  }
0xab: {  	_ =	task [dreg:s6], $0x5FFFF  }
0xac: {  	[dreg:$0x1] =	wrdreg $0xFFFFFFFF  }
0xad: {  	[dreg:$0x0] =	wrdreg $0x60  }
0xae: {  	[dreg:$0x2] =	wrdreg s24  }
0xaf: {  	[dreg:$0x3] =	wrdreg $0x41000  }
0xb0: {  	[dreg:$0x4] =	wrdreg $0x9  }
0xb1: {  	_ =	task.clear_ibuf [dreg:s6], $0x5FFFF;
	_ =	strace $0x9000004F  }
0xb2: {  	s29 =	simm.s32 $0x9;
	_ =	strace $0x80000051  }
0xb3: {  	_ =	swait.ge [sflag:s29], $0x1  }
0xb4: {  	[sflag:s29] =	ssyncadd.s32 $0xFFFFFFFF  }
0xb5: {  	_ =	strace $0x90000051  }
0xb6: {  	_ =	sfence  }
0xb7: {  	s30 =	sld [smem:$0x0];
	_ =	sdelay $0x2  }
0xb8: {  	s31 =	sshll.u32 s1, $0xD;
	s1 =	sshrl.u32 s1, $0x2  }
0xb9: {  	s3 =	sand.u32 $0x4000, s31;
	s1 =	sadd.s32 s1, s30  }
0xba: {  	s0 =	sor.u32 s3, s0;
	s1 =	sshll.u32 s1, $0x11  }
0xbb: {  	s0 =	sor.u32 s1, s0  }
0xbc: {  	s0 =	sadd.s32 $0x8F2B, s0  }
0xbd: {  	[sflag:s0] =	ssyncadd.remote.s32 $0x1  }
0xbe: {  	_ =	sfence.sel $0xFFFF  }
0xbf: {  	[dreg:$0x0] =	wrdreg $0xFFFFFFFF;
	(pc) =	sbr.abs _section_cstart, $3  }
0xc0: {  	[dreg:$0x1] =	wrdreg $0xFFFFFFFF  }
0xc1: {  	_ =	task.clear_ibuf [dreg:s6], $0x2FFFF;
	_ =	strace $0x9FFFFFFF  }
0xc2: {  	(tm) =	ssettm $0x7FFFFFFF  }
0xc3: {  	_ =	shalt  }
tec
execute0_lowered:
.L_overlay_start_1:
0x0: {  	(tag) =	ssettag $0x1  }
0x1: {  	s6 =	rddreg [dreg:$0x0];
	s0 =	srdreg.scid  }
0x2: {  	s2 =	rddreg [dreg:$0x1];
	s1 =	stileid.u32  }
0x3: {  	s3 =	simm.s32 $0x0;
	s14 =	simm.s32 $0x100;
	s5 =	smul.u32 $0x2800, s1  }
0x4: {  	s15 =	simm.s32 $0x1;
	s16 =	simm.s32 $0x0;
	s10 =	smul.u32 $0x50000, s1  }
0x5: {  	s7 =	sand.u32 $0x1, s0;
	s0 =	rddreg [dreg:$0x2];
	s11 =	smul.u32 $0x500, s1  }
0x6: {  	[smem:$0x7FF] =	sst s3;
	s30 =	sshll.u32 s1, $0x6;
	s4 =	smul.u32 $0x5000, s7  }
0x7: {  	s8 =	smul.u32 $0x28000, s7;
	_ =	strace $0x80000050;
	s29 =	ssub.s32 $0x2, s7  }
0x8: {  	s7 =	sshrl.u32 s29, $0x1;
	s10 =	sshrl.u32 s10, $0x2;
	s9 =	sadd.s32 s4, s6  }
0x9: {  	s4 =	sadd.s32 $0xCC00, s6;
	s8 =	sadd.s32 s5, s8;
	s5 =	sadd.s32 $0x34C00, s6  }
0xa: {  	s12 =	ssub.s32 s29, s7;
	s13 =	sadd.s32 s10, s2;
	s8 =	sadd.s32 s8, s6  }
0xb: {  	s6 =	sor.u32 $0x1C02, s30;
	s31 =	sadd.s32 s11, s9;
	s11 =	sshrl.u32 s13, $0x3  }
0xc: {  	s13 =	simm.s32 $0x80;
	s7 =	sadd.s32 $0x69C00, s8;
	s8 =	smax.u32 s12, $0x1  }
0xd: {  	s9 =	sadd.s32 $0x2C00, s31;
	s10 =	sadd.s32 $0x5FC00, s31;
	s12 =	simm.s32 $0x2  }
.LBB2_1:
0xe: {  	[spmem:s11], [sflag:s6] =	dma.local [hbm:s5], $0x2800  }
0xf: {  	_ =	swait.ge [sflag:s12], $0x2800  }
0x10: {  	[sflag:s12] =	ssyncset.done $0x0  }
0x11: {  	[sflag:s12] =	ssyncadd.s32 $0xFFFFD800  }
0x12: {  	s17 =	sadd.s32 $0x0, s10;
	[bflag:$0x0] =	sbarrier.arrive $0xFFFF  }
0x13: {  	[tilespmem:s3], [sflag:$0x2] =	stream.linear.gather [hbm4b:s17+s3], $0x80, $0x38;
	[tilespmem:$0x18100] =	vst v63  }
0x14: {  	_ =	swait.ge [sflag:s12], $0x80  }
0x15: {  	[sflag:s12] =	ssyncset.done $0x0  }
0x16: {  	s31 =	sadd.s32 $0x0, s9;
	[sflag:s12] =	ssyncadd.s32 $0xFFFFFF80  }
0x17: {  	[tilespmem:s13], [sflag:$0x2] =	stream.linear.gather [hbm4b:s31+s3], $0x80, $0x38;
	[tilespmem:$0x18100] =	vst v63  }
0x18: {  	_ =	swait.ge [sflag:s12], $0x80  }
0x19: {  	[sflag:s12] =	ssyncset.done $0x0  }
0x1a: {  	[sflag:s12] =	ssyncadd.s32 $0xFFFFFF80  }
0x1b: {  	[tilespmem:s14], [sflag:$0x1] =	stream.indirect.gather [hbm4b:s4+s13], $0x80, s3, s13, $0xb8;
	[tilespmem:$0x18100] =	vst v63  }
0x1c: {  	_ =	swait.ge [sflag:s15], $0x4000  }
0x1d: {  	[sflag:s15] =	ssyncset.done $0x0  }
0x1e: {  	[sflag:s15] =	ssyncadd.s32 $0xFFFFC000  }
0x1f: {  	[spmem:s2] =	stream.indirect.scatter.add.f32 [tilespmem:s14], [sflag:$0x2], $0x80, s13, s13, $0xb8;
	[tilespmem:$0x18100] =	vst v63  }
0x20: {  	_ =	swait.ge [sflag:s12], $0x4000  }
0x21: {  	s18 =	simm.s32 $0x20;
	s17 =	simm.s32 $0x10;
	[sflag:s12] =	ssyncset.done $0x0  }
.LBB2_2:
0x22: {  	s19 =	sadd.s32 s17, s10  }
0x23: {  	[sflag:s12] =	ssyncadd.s32 $0xFFFFC000;
	s20 =	smov.u32 s18;
	s21 =	sadd.s32 $0x10, s18  }
0x24: {  	[tilespmem:s3], [sflag:$0x2] =	stream.linear.gather [hbm4b:s19+s3], $0x80, $0x38;
	[tilespmem:$0x18100] =	vst v63  }
0x25: {  	p0 =	sne.s32 s18, $0x4F0;
	_ =	swait.ge [sflag:s12], $0x80  }
0x26: {  	[sflag:s12] =	ssyncset.done $0x0  }
0x27: {  	s18 =	sadd.s32 s17, s9;
	s17 =	smov.u32 s20;
	[sflag:s12] =	ssyncadd.s32 $0xFFFFFF80  }
0x28: {  	[tilespmem:s13], [sflag:$0x2] =	stream.linear.gather [hbm4b:s18+s3], $0x80, $0x38;
	[tilespmem:$0x18100] =	vst v63  }
0x29: {  	_ =	swait.ge [sflag:s12], $0x80  }
0x2a: {  	[sflag:s12] =	ssyncset.done $0x0  }
0x2b: {  	[sflag:s12] =	ssyncadd.s32 $0xFFFFFF80  }
0x2c: {  	[tilespmem:s14], [sflag:$0x1] =	stream.indirect.gather [hbm4b:s4+s13], $0x80, s3, s13, $0xb8;
	[tilespmem:$0x18100] =	vst v63  }
0x2d: {  	_ =	swait.ge [sflag:s15], $0x4000  }
.Ltmp0:
0x2e: {  	[sflag:s15] =	ssyncset.done $0x0;
	(pc) =	sbr.rel @p0 .LBB2_2-.Ltmp0, $4  }
0x2f: {  	[sflag:s15] =	ssyncadd.s32 $0xFFFFC000  }
0x30: {  	[spmem:s2] =	stream.indirect.scatter.add.f32 [tilespmem:s14], [sflag:$0x2], $0x80, s13, s13, $0xb8;
	[tilespmem:$0x18100] =	vst v63  }
0x31: {  	_ =	swait.ge [sflag:s12], $0x4000  }
0x32: {  	s18 =	smov.u32 s21;
	[sflag:s12] =	ssyncset.done $0x0  }
0x33: {  	s18 =	sadd.s32 s17, s10;
	[sflag:s12] =	ssyncadd.s32 $0xFFFFC000  }
0x34: {  	[tilespmem:s3], [sflag:$0x2] =	stream.linear.gather [hbm4b:s18+s3], $0x80, $0x38;
	[tilespmem:$0x18100] =	vst v63  }
0x35: {  	_ =	swait.ge [sflag:s12], $0x80  }
0x36: {  	[sflag:s12] =	ssyncset.done $0x0  }
0x37: {  	s31 =	sadd.s32 s17, s9;
	[sflag:s12] =	ssyncadd.s32 $0xFFFFFF80  }
0x38: {  	[tilespmem:s13], [sflag:$0x2] =	stream.linear.gather [hbm4b:s31+s3], $0x80, $0x38;
	[tilespmem:$0x18100] =	vst v63  }
0x39: {  	_ =	swait.ge [sflag:s12], $0x80  }
0x3a: {  	[sflag:s12] =	ssyncset.done $0x0  }
0x3b: {  	[sflag:s12] =	ssyncadd.s32 $0xFFFFFF80  }
0x3c: {  	[tilespmem:s14], [sflag:$0x1] =	stream.indirect.gather [hbm4b:s4+s13], $0x80, s3, s13, $0xb8;
	[tilespmem:$0x18100] =	vst v63  }
0x3d: {  	_ =	swait.ge [sflag:s15], $0x4000  }
0x3e: {  	[sflag:s15] =	ssyncset.done $0x0  }
0x3f: {  	[sflag:s15] =	ssyncadd.s32 $0xFFFFC000  }
0x40: {  	[spmem:s2] =	stream.indirect.scatter.add.f32 [tilespmem:s14], [sflag:$0x2], $0x80, s13, s13, $0xb8;
	[tilespmem:$0x18100] =	vst v63  }
0x41: {  	_ =	swait.ge [sflag:s12], $0x4000  }
0x42: {  	s16 =	sadd.s32 $0x1, s16;
	[sflag:s12] =	ssyncset.done $0x0  }
0x43: {  	p0 =	sne.s32 s16, s8;
	[sflag:s12] =	ssyncadd.s32 $0xFFFFC000  }
.Ltmp1:
0x44: {  	[bflag:$0x0] =	sbarrier.arrive $0xFFFF;
	(pc) =	sbr.rel @p0 .LBB2_1-.Ltmp1, $4  }
0x45: {  	[hbm:s7], [sflag:s6] =	dma.local [spmem:s11], $0x2800  }
0x46: {  	_ =	swait.ge [sflag:s12], $0x2800  }
0x47: {  	[sflag:s12] =	ssyncset.done $0x0  }
0x48: {  	[sflag:s12] =	ssyncadd.s32 $0xFFFFD800  }
0x49: {  	_ =	sfence.sel $0x180000  }
0x4a: {  	[bflag:$0x0] =	sbarrier.arrive $0xFFFF  }
0x4b: {  	p0 =	sne.s32 s1, $0x0;
	_ =	strace $0x90000050  }
0x4c: {  	s0 =	sadd.s32 @!p0 $0x100000, s0;
	[bflag:$0x2] =	sbarrier.arrive $0xFFFF  }
0x4d: {  	[sflag:s0] =	ssyncadd.tile.s32 @!p0 $0x1;
	_ =	shalt  }
.Lfunc_end2:
_tile_overlayer_lowered:
.L_overlay_start_2:
0x4e: {  	(tag) =	ssettag $0x2  }
0x4f: {  	s0 =	rddreg [dreg:$0x0];
	s2 =	stileid.u32  }
0x50: {  	s1 =	rddreg [dreg:$0x1];
	p0 =	sne.s32 s2, $0x0  }
0x51: {  	s3 =	rddreg [dreg:$0x2];
	[bflag:$0x3] =	sbarrier.arrive $0xFFFF;
	s2 =	simm.s32 @!p0 $0x1C02  }
0x52: {  	[timem:s3], [sflag:s2] =	dma.local @!p0 [hbm:s0], s1  }
0x53: {  	s0 =	simm.s32 @!p0 $0x2  }
0x54: {  	_ =	swait.ge @!p0 [sflag:s0], s1  }
0x55: {  	s1 =	ssub.s32 @!p0 $0x0, s1;
	[sflag:s0] =	ssyncset.done @!p0 $0x0  }
0x56: {  	[sflag:s0] =	ssyncadd.s32 @!p0 s1  }
0x57: {  	[bflag:$0x3] =	sbarrier.arrive $0xFFFF  }
0x58: {  	_ =	shalt  }

</sc_bundles>
